<compile_context>
chip_gen: v7x
topology: tpu7x:2x2x1
jax: 0.10.2.dev20260603
libtpu: 0.0.44.dev20260713+nightly
codegen_flags: <defaults>
</compile_context>

<pallas_src>
import functools

import jax
import jax.numpy as jnp
from jax import lax
from jax.experimental import pallas as pl
from jax.experimental.pallas import tpu as pltpu
from jax.experimental.pallas import tpu_sc as plsc

_SEQ = 8192
_D = 1024
_NC, _NS = 2, 16
_NW = _NC * _NS
_BPW = _SEQ // _NW
_CH = 16
_NCHUNK = _BPW // _CH
_NBUF = 7
_GDEPTH = 4

_mesh = plsc.VectorSubcoreMesh(core_axis_name="c", subcore_axis_name="s")


@functools.partial(
    pl.kernel,
    out_type=jax.ShapeDtypeStruct((1, _SEQ, _D), jnp.float32),
    mesh=_mesh,
    scratch_types=[
        pltpu.VMEM((_BPW,), jnp.int32),
        [pltpu.VMEM((_CH, _D), jnp.float32) for _ in range(_NBUF)],
        [pltpu.SemaphoreType.DMA for _ in range(_NBUF)],
        [pltpu.SemaphoreType.DMA for _ in range(_NBUF)],
    ],
)
def _pe_gather(table_hbm, idx_hbm, out_hbm, idx_v, bufs, gsems, ssems):
    wid = lax.axis_index("s") * _NC + lax.axis_index("c")
    base = wid * _BPW
    pltpu.sync_copy(idx_hbm.at[pl.ds(base, _BPW)], idx_v)

    gathers = [None] * _NBUF
    stores = [None] * _NCHUNK
    for c in range(min(_GDEPTH, _NCHUNK)):
        gathers[c % _NBUF] = pltpu.async_copy(
            table_hbm.at[idx_v.at[pl.ds(c * _CH, _CH)]], bufs[c % _NBUF],
            gsems[c % _NBUF])
    for c in range(_NCHUNK):
        b = c % _NBUF
        gathers[b].wait()
        stores[c] = pltpu.async_copy(
            bufs[b], out_hbm.at[0, pl.ds(base + c * _CH, _CH)], ssems[b])
        nc = c + _GDEPTH
        if nc < _NCHUNK:
            nb = nc % _NBUF
            prev = nc - _NBUF
            if prev >= 0:
                stores[prev].wait()
            gathers[nb] = pltpu.async_copy(
                table_hbm.at[idx_v.at[pl.ds(nc * _CH, _CH)]], bufs[nb],
                gsems[nb])
    for c in range(max(0, _NCHUNK - _NBUF), _NCHUNK):
        if stores[c] is not None:
            stores[c].wait()


def kernel(x, pe_table, position_ids):
    del x
    idx = position_ids.reshape(_SEQ).astype(jnp.int32)
    return _pe_gather(pe_table, idx)

# --- scband reference (transcript-rebuilt; emitter-appended) ---
"""Pipeline reference for scband-learned-positional-encoding-42588895707919 (READ-ONLY COPY).

The authoritative reference and input builder live on the scoring server;
editing this copy changes nothing except your own understanding.
"""

import jax, jax.numpy as jnp
import numpy as np

MAX_POS = 8192
EMBED_DIM = 1024
SEQ_LEN = 8192
BATCH = 4

def setup_inputs(seed: int = 0) -> dict:
    key = jax.random.key(seed)
    k1, k2 = jax.random.split(key)
    x = jax.random.normal(k1, (BATCH, SEQ_LEN, EMBED_DIM), dtype=jnp.float32)
    position_ids = jnp.arange(SEQ_LEN, dtype=jnp.int64 if jax.config.jax_enable_x64 else jnp.int32).reshape(1, SEQ_LEN)
    # learned positional embedding table (nn.Embedding weight), default init N(0,1)
    pe_table = jax.random.normal(k2, (MAX_POS, EMBED_DIM), dtype=jnp.float32)
    return {"x": x, "pe_table": pe_table, "position_ids": position_ids}

def reference(x, pe_table, position_ids):
    # position_ids defaults to buffer arange(seq_length)[None, :]; here passed explicitly
    # embedding lookup: gather rows of pe_table
    position_embeddings = jnp.take(pe_table, position_ids, axis=0)  # [1, seq_len, embed_dim]
    return position_embeddings

if __name__ == "__main__":
    import jax
    _d = setup_inputs()
    print(jax.jit(kernel)(*tuple(_d.values())))

</pallas_src>

<mosaic_0001>
#map = affine_map<(d0, d1) -> (0, 0)>
#map1 = affine_map<(d0, d1) -> (0)>
#map2 = affine_map<(d0, d1) -> (0, 0, 0)>
module attributes {stable_mosaic.version = 14 : i64} {
  func.func @_pe_gather(%arg0: i32, %arg1: i32, %arg2: memref<8192x1024xf32, #tpu.memory_space<hbm>>, %arg3: memref<8192xi32, #tpu.memory_space<hbm>>, %arg4: memref<1x8192x1024xf32, #tpu.memory_space<hbm>>, %arg5: memref<256xi32, #tpu.memory_space<vmem>>, %arg6: memref<16x1024xf32, #tpu.memory_space<vmem>>, %arg7: memref<16x1024xf32, #tpu.memory_space<vmem>>, %arg8: memref<16x1024xf32, #tpu.memory_space<vmem>>, %arg9: memref<16x1024xf32, #tpu.memory_space<vmem>>, %arg10: memref<16x1024xf32, #tpu.memory_space<vmem>>, %arg11: memref<16x1024xf32, #tpu.memory_space<vmem>>, %arg12: memref<16x1024xf32, #tpu.memory_space<vmem>>, %arg13: memref<!tpu.dma_semaphore, #tpu.memory_space<semaphore_mem>>, %arg14: memref<!tpu.dma_semaphore, #tpu.memory_space<semaphore_mem>>, %arg15: memref<!tpu.dma_semaphore, #tpu.memory_space<semaphore_mem>>, %arg16: memref<!tpu.dma_semaphore, #tpu.memory_space<semaphore_mem>>, %arg17: memref<!tpu.dma_semaphore, #tpu.memory_space<semaphore_mem>>, %arg18: memref<!tpu.dma_semaphore, #tpu.memory_space<semaphore_mem>>, %arg19: memref<!tpu.dma_semaphore, #tpu.memory_space<semaphore_mem>>, %arg20: memref<!tpu.dma_semaphore, #tpu.memory_space<semaphore_mem>>, %arg21: memref<!tpu.dma_semaphore, #tpu.memory_space<semaphore_mem>>, %arg22: memref<!tpu.dma_semaphore, #tpu.memory_space<semaphore_mem>>, %arg23: memref<!tpu.dma_semaphore, #tpu.memory_space<semaphore_mem>>, %arg24: memref<!tpu.dma_semaphore, #tpu.memory_space<semaphore_mem>>, %arg25: memref<!tpu.dma_semaphore, #tpu.memory_space<semaphore_mem>>, %arg26: memref<!tpu.dma_semaphore, #tpu.memory_space<semaphore_mem>>) attributes {dimension_semantics = [#tpu.dimension_semantics<core_parallel>, #tpu.dimension_semantics<subcore_parallel>], iteration_bounds = array<i64: 2, 16>, scalar_prefetch = 0 : i64, scratch_operands = 22 : i64, tpu.core_type = #tpu.core_type<sc_vector_subcore>, window_params = [{transform_indices = #map}, {transform_indices = #map1}, {transform_indices = #map2}]} {
    %mul3A = arith.constant 2 : i32
    %mul3A_0 = arith.muli %arg1, %mul3A : i32
    %add3A = arith.addi %mul3A_0, %arg0 : i32
    %mul3A_1 = arith.constant 256 : i32
    %mul3A_2 = arith.muli %add3A, %mul3A_1 : i32
    "tpu.region"() ({
      %run_scoped3A = tpu.sem_alloc : memref<!tpu.dma_semaphore, #tpu.memory_space<semaphore_mem>>
      %dma_start3A_417 = tpu.memref_slice %arg3[%mul3A_2] : memref<8192xi32, #tpu.memory_space<hbm>> -> memref<256xi32, #tpu.memory_space<hbm>>
      %dma_start3A_418 = tpu.memref_slice %arg3[%mul3A_2] : memref<8192xi32, #tpu.memory_space<hbm>> -> memref<256xi32, #tpu.memory_space<hbm>>
      tpu.enqueue_dma source(%dma_start3A_418 : memref<256xi32, #tpu.memory_space<hbm>>) target(%arg5 : memref<256xi32, #tpu.memory_space<vmem>>) target_semaphore(%run_scoped3A : memref<!tpu.dma_semaphore, #tpu.memory_space<semaphore_mem>>)
      %dma_wait3A_419 = tpu.memref_slice %arg3[%mul3A_2] : memref<8192xi32, #tpu.memory_space<hbm>> -> memref<256xi32, #tpu.memory_space<hbm>>
      %dma_wait3A_420 = tpu.memref_slice %arg3[%mul3A_2] : memref<8192xi32, #tpu.memory_space<hbm>> -> memref<256xi32, #tpu.memory_space<hbm>>
      tpu.wait_dma2 semaphore(%run_scoped3A : memref<!tpu.dma_semaphore, #tpu.memory_space<semaphore_mem>>) src(%dma_wait3A_420 : memref<256xi32, #tpu.memory_space<hbm>>) dst(%arg5 : memref<256xi32, #tpu.memory_space<vmem>>)
      tpu.yield
    }) : () -> ()
    %dma_start3A = arith.constant 0 : i32
    %dma_start3A_3 = tpu.memref_slice %arg5[%dma_start3A] : memref<256xi32, #tpu.memory_space<vmem>> -> memref<16xi32, #tpu.memory_space<vmem>>
    %dma_start3A_4 = arith.constant 0 : i32
    %dma_start3A_5 = arith.constant 0 : i32
    %dma_start3A_6 = tpu.memref_slice %arg2[%dma_start3A_4, %dma_start3A_5] : memref<8192x1024xf32, #tpu.memory_space<hbm>> -> memref<8192x1024xf32, #tpu.memory_space<hbm>>
    tpu.enqueue_indirect_dma source(%dma_start3A_6 : memref<8192x1024xf32, #tpu.memory_space<hbm>>) target(%arg6 : memref<16x1024xf32, #tpu.memory_space<vmem>>) offsets(%dma_start3A_3 : memref<16xi32, #tpu.memory_space<vmem>>) semaphore(%arg13 : memref<!tpu.dma_semaphore, #tpu.memory_space<semaphore_mem>>)
    %dma_start3A_7 = arith.constant 16 : i32
    %dma_start3A_8 = tpu.memref_slice %arg5[%dma_start3A_7] : memref<256xi32, #tpu.memory_space<vmem>> -> memref<16xi32, #tpu.memory_space<vmem>>
    %dma_start3A_9 = arith.constant 0 : i32
    %dma_start3A_10 = arith.constant 0 : i32
    %dma_start3A_11 = tpu.memref_slice %arg2[%dma_start3A_9, %dma_start3A_10] : memref<8192x1024xf32, #tpu.memory_space<hbm>> -> memref<8192x1024xf32, #tpu.memory_space<hbm>>
    tpu.enqueue_indirect_dma source(%dma_start3A_11 : memref<8192x1024xf32, #tpu.memory_space<hbm>>) target(%arg7 : memref<16x1024xf32, #tpu.memory_space<vmem>>) offsets(%dma_start3A_8 : memref<16xi32, #tpu.memory_space<vmem>>) semaphore(%arg14 : memref<!tpu.dma_semaphore, #tpu.memory_space<semaphore_mem>>)
    %dma_start3A_12 = arith.constant 32 : i32
    %dma_start3A_13 = tpu.memref_slice %arg5[%dma_start3A_12] : memref<256xi32, #tpu.memory_space<vmem>> -> memref<16xi32, #tpu.memory_space<vmem>>
    %dma_start3A_14 = arith.constant 0 : i32
    %dma_start3A_15 = arith.constant 0 : i32
    %dma_start3A_16 = tpu.memref_slice %arg2[%dma_start3A_14, %dma_start3A_15] : memref<8192x1024xf32, #tpu.memory_space<hbm>> -> memref<8192x1024xf32, #tpu.memory_space<hbm>>
    tpu.enqueue_indirect_dma source(%dma_start3A_16 : memref<8192x1024xf32, #tpu.memory_space<hbm>>) target(%arg8 : memref<16x1024xf32, #tpu.memory_space<vmem>>) offsets(%dma_start3A_13 : memref<16xi32, #tpu.memory_space<vmem>>) semaphore(%arg15 : memref<!tpu.dma_semaphore, #tpu.memory_space<semaphore_mem>>)
    %dma_start3A_17 = arith.constant 48 : i32
    %dma_start3A_18 = tpu.memref_slice %arg5[%dma_start3A_17] : memref<256xi32, #tpu.memory_space<vmem>> -> memref<16xi32, #tpu.memory_space<vmem>>
    %dma_start3A_19 = arith.constant 0 : i32
    %dma_start3A_20 = arith.constant 0 : i32
    %dma_start3A_21 = tpu.memref_slice %arg2[%dma_start3A_19, %dma_start3A_20] : memref<8192x1024xf32, #tpu.memory_space<hbm>> -> memref<8192x1024xf32, #tpu.memory_space<hbm>>
    tpu.enqueue_indirect_dma source(%dma_start3A_21 : memref<8192x1024xf32, #tpu.memory_space<hbm>>) target(%arg9 : memref<16x1024xf32, #tpu.memory_space<vmem>>) offsets(%dma_start3A_18 : memref<16xi32, #tpu.memory_space<vmem>>) semaphore(%arg16 : memref<!tpu.dma_semaphore, #tpu.memory_space<semaphore_mem>>)
    %dma_wait3A = arith.constant 0 : i32
    %dma_wait3A_22 = tpu.memref_slice %arg5[%dma_wait3A] : memref<256xi32, #tpu.memory_space<vmem>> -> memref<16xi32, #tpu.memory_space<vmem>>
    %dma_wait3A_23 = arith.constant 0 : i32
    %dma_wait3A_24 = arith.constant 0 : i32
    %dma_wait3A_25 = tpu.memref_slice %arg2[%dma_wait3A_23, %dma_wait3A_24] : memref<8192x1024xf32, #tpu.memory_space<hbm>> -> memref<8192x1024xf32, #tpu.memory_space<hbm>>
    tpu.wait_indirect_dma semaphore(%arg13 : memref<!tpu.dma_semaphore, #tpu.memory_space<semaphore_mem>>) src(%dma_wait3A_25 : memref<8192x1024xf32, #tpu.memory_space<hbm>>) dst(%arg6 : memref<16x1024xf32, #tpu.memory_space<vmem>>)
    %add3A_26 = arith.constant 0 : i32
    %add3A_27 = arith.addi %mul3A_2, %add3A_26 : i32
    %dma_start3A_28 = arith.constant 0 : i32
    %dma_start3A_29 = arith.constant 0 : i32
    %dma_start3A_30 = tpu.memref_slice %arg4[%dma_start3A_28, %add3A_27, %dma_start3A_29] : memref<1x8192x1024xf32, #tpu.memory_space<hbm>> -> memref<1x16x1024xf32, #tpu.memory_space<hbm>>
    %dma_start3A_31 = tpu.memref_squeeze %dma_start3A_30 : memref<1x16x1024xf32, #tpu.memory_space<hbm>> -> memref<16x1024xf32, #tpu.memory_space<hbm>>
    %dma_start3A_32 = arith.constant 0 : i32
    %dma_start3A_33 = tpu.memref_slice %arg4[%dma_start3A_28, %add3A_27, %dma_start3A_32] : memref<1x8192x1024xf32, #tpu.memory_space<hbm>> -> memref<1x16x1024xf32, #tpu.memory_space<hbm>>
    %dma_start3A_34 = tpu.memref_squeeze %dma_start3A_33 : memref<1x16x1024xf32, #tpu.memory_space<hbm>> -> memref<16x1024xf32, #tpu.memory_space<hbm>>
    tpu.enqueue_dma source(%arg6 : memref<16x1024xf32, #tpu.memory_space<vmem>>) target(%dma_start3A_34 : memref<16x1024xf32, #tpu.memory_space<hbm>>) target_semaphore(%arg20 : memref<!tpu.dma_semaphore, #tpu.memory_space<semaphore_mem>>)
    %dma_start3A_35 = arith.constant 64 : i32
    %dma_start3A_36 = tpu.memref_slice %arg5[%dma_start3A_35] : memref<256xi32, #tpu.memory_space<vmem>> -> memref<16xi32, #tpu.memory_space<vmem>>
    %dma_start3A_37 = arith.constant 0 : i32
    %dma_start3A_38 = arith.constant 0 : i32
    %dma_start3A_39 = tpu.memref_slice %arg2[%dma_start3A_37, %dma_start3A_38] : memref<8192x1024xf32, #tpu.memory_space<hbm>> -> memref<8192x1024xf32, #tpu.memory_space<hbm>>
    tpu.enqueue_indirect_dma source(%dma_start3A_39 : memref<8192x1024xf32, #tpu.memory_space<hbm>>) target(%arg10 : memref<16x1024xf32, #tpu.memory_space<vmem>>) offsets(%dma_start3A_36 : memref<16xi32, #tpu.memory_space<vmem>>) semaphore(%arg17 : memref<!tpu.dma_semaphore, #tpu.memory_space<semaphore_mem>>)
    %dma_wait3A_40 = arith.constant 16 : i32
    %dma_wait3A_41 = tpu.memref_slice %arg5[%dma_wait3A_40] : memref<256xi32, #tpu.memory_space<vmem>> -> memref<16xi32, #tpu.memory_space<vmem>>
    %dma_wait3A_42 = arith.constant 0 : i32
    %dma_wait3A_43 = arith.constant 0 : i32
    %dma_wait3A_44 = tpu.memref_slice %arg2[%dma_wait3A_42, %dma_wait3A_43] : memref<8192x1024xf32, #tpu.memory_space<hbm>> -> memref<8192x1024xf32, #tpu.memory_space<hbm>>
    tpu.wait_indirect_dma semaphore(%arg14 : memref<!tpu.dma_semaphore, #tpu.memory_space<semaphore_mem>>) src(%dma_wait3A_44 : memref<8192x1024xf32, #tpu.memory_space<hbm>>) dst(%arg7 : memref<16x1024xf32, #tpu.memory_space<vmem>>)
    %add3A_45 = arith.constant 16 : i32
    %add3A_46 = arith.addi %mul3A_2, %add3A_45 : i32
    %dma_start3A_47 = arith.constant 0 : i32
    %dma_start3A_48 = arith.constant 0 : i32
    %dma_start3A_49 = tpu.memref_slice %arg4[%dma_start3A_47, %add3A_46, %dma_start3A_48] : memref<1x8192x1024xf32, #tpu.memory_space<hbm>> -> memref<1x16x1024xf32, #tpu.memory_space<hbm>>
    %dma_start3A_50 = tpu.memref_squeeze %dma_start3A_49 : memref<1x16x1024xf32, #tpu.memory_space<hbm>> -> memref<16x1024xf32, #tpu.memory_space<hbm>>
    %dma_start3A_51 = arith.constant 0 : i32
    %dma_start3A_52 = tpu.memref_slice %arg4[%dma_start3A_47, %add3A_46, %dma_start3A_51] : memref<1x8192x1024xf32, #tpu.memory_space<hbm>> -> memref<1x16x1024xf32, #tpu.memory_space<hbm>>
    %dma_start3A_53 = tpu.memref_squeeze %dma_start3A_52 : memref<1x16x1024xf32, #tpu.memory_space<hbm>> -> memref<16x1024xf32, #tpu.memory_space<hbm>>
    tpu.enqueue_dma source(%arg7 : memref<16x1024xf32, #tpu.memory_space<vmem>>) target(%dma_start3A_53 : memref<16x1024xf32, #tpu.memory_space<hbm>>) target_semaphore(%arg21 : memref<!tpu.dma_semaphore, #tpu.memory_space<semaphore_mem>>)
    %dma_start3A_54 = arith.constant 80 : i32
    %dma_start3A_55 = tpu.memref_slice %arg5[%dma_start3A_54] : memref<256xi32, #tpu.memory_space<vmem>> -> memref<16xi32, #tpu.memory_space<vmem>>
    %dma_start3A_56 = arith.constant 0 : i32
    %dma_start3A_57 = arith.constant 0 : i32
    %dma_start3A_58 = tpu.memref_slice %arg2[%dma_start3A_56, %dma_start3A_57] : memref<8192x1024xf32, #tpu.memory_space<hbm>> -> memref<8192x1024xf32, #tpu.memory_space<hbm>>
    tpu.enqueue_indirect_dma source(%dma_start3A_58 : memref<8192x1024xf32, #tpu.memory_space<hbm>>) target(%arg11 : memref<16x1024xf32, #tpu.memory_space<vmem>>) offsets(%dma_start3A_55 : memref<16xi32, #tpu.memory_space<vmem>>) semaphore(%arg18 : memref<!tpu.dma_semaphore, #tpu.memory_space<semaphore_mem>>)
    %dma_wait3A_59 = arith.constant 32 : i32
    %dma_wait3A_60 = tpu.memref_slice %arg5[%dma_wait3A_59] : memref<256xi32, #tpu.memory_space<vmem>> -> memref<16xi32, #tpu.memory_space<vmem>>
    %dma_wait3A_61 = arith.constant 0 : i32
    %dma_wait3A_62 = arith.constant 0 : i32
    %dma_wait3A_63 = tpu.memref_slice %arg2[%dma_wait3A_61, %dma_wait3A_62] : memref<8192x1024xf32, #tpu.memory_space<hbm>> -> memref<8192x1024xf32, #tpu.memory_space<hbm>>
    tpu.wait_indirect_dma semaphore(%arg15 : memref<!tpu.dma_semaphore, #tpu.memory_space<semaphore_mem>>) src(%dma_wait3A_63 : memref<8192x1024xf32, #tpu.memory_space<hbm>>) dst(%arg8 : memref<16x1024xf32, #tpu.memory_space<vmem>>)
    %add3A_64 = arith.constant 32 : i32
    %add3A_65 = arith.addi %mul3A_2, %add3A_64 : i32
    %dma_start3A_66 = arith.constant 0 : i32
    %dma_start3A_67 = arith.constant 0 : i32
    %dma_start3A_68 = tpu.memref_slice %arg4[%dma_start3A_66, %add3A_65, %dma_start3A_67] : memref<1x8192x1024xf32, #tpu.memory_space<hbm>> -> memref<1x16x1024xf32, #tpu.memory_space<hbm>>
    %dma_start3A_69 = tpu.memref_squeeze %dma_start3A_68 : memref<1x16x1024xf32, #tpu.memory_space<hbm>> -> memref<16x1024xf32, #tpu.memory_space<hbm>>
    %dma_start3A_70 = arith.constant 0 : i32
    %dma_start3A_71 = tpu.memref_slice %arg4[%dma_start3A_66, %add3A_65, %dma_start3A_70] : memref<1x8192x1024xf32, #tpu.memory_space<hbm>> -> memref<1x16x1024xf32, #tpu.memory_space<hbm>>
    %dma_start3A_72 = tpu.memref_squeeze %dma_start3A_71 : memref<1x16x1024xf32, #tpu.memory_space<hbm>> -> memref<16x1024xf32, #tpu.memory_space<hbm>>
    tpu.enqueue_dma source(%arg8 : memref<16x1024xf32, #tpu.memory_space<vmem>>) target(%dma_start3A_72 : memref<16x1024xf32, #tpu.memory_space<hbm>>) target_semaphore(%arg22 : memref<!tpu.dma_semaphore, #tpu.memory_space<semaphore_mem>>)
    %dma_start3A_73 = arith.constant 96 : i32
    %dma_start3A_74 = tpu.memref_slice %arg5[%dma_start3A_73] : memref<256xi32, #tpu.memory_space<vmem>> -> memref<16xi32, #tpu.memory_space<vmem>>
    %dma_start3A_75 = arith.constant 0 : i32
    %dma_start3A_76 = arith.constant 0 : i32
    %dma_start3A_77 = tpu.memref_slice %arg2[%dma_start3A_75, %dma_start3A_76] : memref<8192x1024xf32, #tpu.memory_space<hbm>> -> memref<8192x1024xf32, #tpu.memory_space<hbm>>
    tpu.enqueue_indirect_dma source(%dma_start3A_77 : memref<8192x1024xf32, #tpu.memory_space<hbm>>) target(%arg12 : memref<16x1024xf32, #tpu.memory_space<vmem>>) offsets(%dma_start3A_74 : memref<16xi32, #tpu.memory_space<vmem>>) semaphore(%arg19 : memref<!tpu.dma_semaphore, #tpu.memory_space<semaphore_mem>>)
    %dma_wait3A_78 = arith.constant 48 : i32
    %dma_wait3A_79 = tpu.memref_slice %arg5[%dma_wait3A_78] : memref<256xi32, #tpu.memory_space<vmem>> -> memref<16xi32, #tpu.memory_space<vmem>>
    %dma_wait3A_80 = arith.constant 0 : i32
    %dma_wait3A_81 = arith.constant 0 : i32
    %dma_wait3A_82 = tpu.memref_slice %arg2[%dma_wait3A_80, %dma_wait3A_81] : memref<8192x1024xf32, #tpu.memory_space<hbm>> -> memref<8192x1024xf32, #tpu.memory_space<hbm>>
    tpu.wait_indirect_dma semaphore(%arg16 : memref<!tpu.dma_semaphore, #tpu.memory_space<semaphore_mem>>) src(%dma_wait3A_82 : memref<8192x1024xf32, #tpu.memory_space<hbm>>) dst(%arg9 : memref<16x1024xf32, #tpu.memory_space<vmem>>)
    %add3A_83 = arith.constant 48 : i32
    %add3A_84 = arith.addi %mul3A_2, %add3A_83 : i32
    %dma_start3A_85 = arith.constant 0 : i32
    %dma_start3A_86 = arith.constant 0 : i32
    %dma_start3A_87 = tpu.memref_slice %arg4[%dma_start3A_85, %add3A_84, %dma_start3A_86] : memref<1x8192x1024xf32, #tpu.memory_space<hbm>> -> memref<1x16x1024xf32, #tpu.memory_space<hbm>>
    %dma_start3A_88 = tpu.memref_squeeze %dma_start3A_87 : memref<1x16x1024xf32, #tpu.memory_space<hbm>> -> memref<16x1024xf32, #tpu.memory_space<hbm>>
    %dma_start3A_89 = arith.constant 0 : i32
    %dma_start3A_90 = tpu.memref_slice %arg4[%dma_start3A_85, %add3A_84, %dma_start3A_89] : memref<1x8192x1024xf32, #tpu.memory_space<hbm>> -> memref<1x16x1024xf32, #tpu.memory_space<hbm>>
    %dma_start3A_91 = tpu.memref_squeeze %dma_start3A_90 : memref<1x16x1024xf32, #tpu.memory_space<hbm>> -> memref<16x1024xf32, #tpu.memory_space<hbm>>
    tpu.enqueue_dma source(%arg9 : memref<16x1024xf32, #tpu.memory_space<vmem>>) target(%dma_start3A_91 : memref<16x1024xf32, #tpu.memory_space<hbm>>) target_semaphore(%arg23 : memref<!tpu.dma_semaphore, #tpu.memory_space<semaphore_mem>>)
    %dma_wait3A_92 = arith.constant 0 : i32
    %dma_wait3A_93 = arith.constant 0 : i32
    %dma_wait3A_94 = tpu.memref_slice %arg4[%dma_wait3A_92, %add3A_27, %dma_wait3A_93] : memref<1x8192x1024xf32, #tpu.memory_space<hbm>> -> memref<1x16x1024xf32, #tpu.memory_space<hbm>>
    %dma_wait3A_95 = tpu.memref_squeeze %dma_wait3A_94 : memref<1x16x1024xf32, #tpu.memory_space<hbm>> -> memref<16x1024xf32, #tpu.memory_space<hbm>>
    %dma_wait3A_96 = arith.constant 0 : i32
    %dma_wait3A_97 = tpu.memref_slice %arg4[%dma_wait3A_92, %add3A_27, %dma_wait3A_96] : memref<1x8192x1024xf32, #tpu.memory_space<hbm>> -> memref<1x16x1024xf32, #tpu.memory_space<hbm>>
    %dma_wait3A_98 = tpu.memref_squeeze %dma_wait3A_97 : memref<1x16x1024xf32, #tpu.memory_space<hbm>> -> memref<16x1024xf32, #tpu.memory_space<hbm>>
    tpu.wait_dma2 semaphore(%arg20 : memref<!tpu.dma_semaphore, #tpu.memory_space<semaphore_mem>>) src(%arg6 : memref<16x1024xf32, #tpu.memory_space<vmem>>) dst(%dma_wait3A_98 : memref<16x1024xf32, #tpu.memory_space<hbm>>)
    %dma_start3A_99 = arith.constant 112 : i32
    %dma_start3A_100 = tpu.memref_slice %arg5[%dma_start3A_99] : memref<256xi32, #tpu.memory_space<vmem>> -> memref<16xi32, #tpu.memory_space<vmem>>
    %dma_start3A_101 = arith.constant 0 : i32
    %dma_start3A_102 = arith.constant 0 : i32
    %dma_start3A_103 = tpu.memref_slice %arg2[%dma_start3A_101, %dma_start3A_102] : memref<8192x1024xf32, #tpu.memory_space<hbm>> -> memref<8192x1024xf32, #tpu.memory_space<hbm>>
    tpu.enqueue_indirect_dma source(%dma_start3A_103 : memref<8192x1024xf32, #tpu.memory_space<hbm>>) target(%arg6 : memref<16x1024xf32, #tpu.memory_space<vmem>>) offsets(%dma_start3A_100 : memref<16xi32, #tpu.memory_space<vmem>>) semaphore(%arg13 : memref<!tpu.dma_semaphore, #tpu.memory_space<semaphore_mem>>)
    %dma_wait3A_104 = arith.constant 64 : i32
    %dma_wait3A_105 = tpu.memref_slice %arg5[%dma_wait3A_104] : memref<256xi32, #tpu.memory_space<vmem>> -> memref<16xi32, #tpu.memory_space<vmem>>
    %dma_wait3A_106 = arith.constant 0 : i32
    %dma_wait3A_107 = arith.constant 0 : i32
    %dma_wait3A_108 = tpu.memref_slice %arg2[%dma_wait3A_106, %dma_wait3A_107] : memref<8192x1024xf32, #tpu.memory_space<hbm>> -> memref<8192x1024xf32, #tpu.memory_space<hbm>>
    tpu.wait_indirect_dma semaphore(%arg17 : memref<!tpu.dma_semaphore, #tpu.memory_space<semaphore_mem>>) src(%dma_wait3A_108 : memref<8192x1024xf32, #tpu.memory_space<hbm>>) dst(%arg10 : memref<16x1024xf32, #tpu.memory_space<vmem>>)
    %add3A_109 = arith.constant 64 : i32
    %add3A_110 = arith.addi %mul3A_2, %add3A_109 : i32
    %dma_start3A_111 = arith.constant 0 : i32
    %dma_start3A_112 = arith.constant 0 : i32
    %dma_start3A_113 = tpu.memref_slice %arg4[%dma_start3A_111, %add3A_110, %dma_start3A_112] : memref<1x8192x1024xf32, #tpu.memory_space<hbm>> -> memref<1x16x1024xf32, #tpu.memory_space<hbm>>
    %dma_start3A_114 = tpu.memref_squeeze %dma_start3A_113 : memref<1x16x1024xf32, #tpu.memory_space<hbm>> -> memref<16x1024xf32, #tpu.memory_space<hbm>>
    %dma_start3A_115 = arith.constant 0 : i32
    %dma_start3A_116 = tpu.memref_slice %arg4[%dma_start3A_111, %add3A_110, %dma_start3A_115] : memref<1x8192x1024xf32, #tpu.memory_space<hbm>> -> memref<1x16x1024xf32, #tpu.memory_space<hbm>>
    %dma_start3A_117 = tpu.memref_squeeze %dma_start3A_116 : memref<1x16x1024xf32, #tpu.memory_space<hbm>> -> memref<16x1024xf32, #tpu.memory_space<hbm>>
    tpu.enqueue_dma source(%arg10 : memref<16x1024xf32, #tpu.memory_space<vmem>>) target(%dma_start3A_117 : memref<16x1024xf32, #tpu.memory_space<hbm>>) target_semaphore(%arg24 : memref<!tpu.dma_semaphore, #tpu.memory_space<semaphore_mem>>)
    %dma_wait3A_118 = arith.constant 0 : i32
    %dma_wait3A_119 = arith.constant 0 : i32
    %dma_wait3A_120 = tpu.memref_slice %arg4[%dma_wait3A_118, %add3A_46, %dma_wait3A_119] : memref<1x8192x1024xf32, #tpu.memory_space<hbm>> -> memref<1x16x1024xf32, #tpu.memory_space<hbm>>
    %dma_wait3A_121 = tpu.memref_squeeze %dma_wait3A_120 : memref<1x16x1024xf32, #tpu.memory_space<hbm>> -> memref<16x1024xf32, #tpu.memory_space<hbm>>
    %dma_wait3A_122 = arith.constant 0 : i32
    %dma_wait3A_123 = tpu.memref_slice %arg4[%dma_wait3A_118, %add3A_46, %dma_wait3A_122] : memref<1x8192x1024xf32, #tpu.memory_space<hbm>> -> memref<1x16x1024xf32, #tpu.memory_space<hbm>>
    %dma_wait3A_124 = tpu.memref_squeeze %dma_wait3A_123 : memref<1x16x1024xf32, #tpu.memory_space<hbm>> -> memref<16x1024xf32, #tpu.memory_space<hbm>>
    tpu.wait_dma2 semaphore(%arg21 : memref<!tpu.dma_semaphore, #tpu.memory_space<semaphore_mem>>) src(%arg7 : memref<16x1024xf32, #tpu.memory_space<vmem>>) dst(%dma_wait3A_124 : memref<16x1024xf32, #tpu.memory_space<hbm>>)
    %dma_start3A_125 = arith.constant 128 : i32
    %dma_start3A_126 = tpu.memref_slice %arg5[%dma_start3A_125] : memref<256xi32, #tpu.memory_space<vmem>> -> memref<16xi32, #tpu.memory_space<vmem>>
    %dma_start3A_127 = arith.constant 0 : i32
    %dma_start3A_128 = arith.constant 0 : i32
    %dma_start3A_129 = tpu.memref_slice %arg2[%dma_start3A_127, %dma_start3A_128] : memref<8192x1024xf32, #tpu.memory_space<hbm>> -> memref<8192x1024xf32, #tpu.memory_space<hbm>>
    tpu.enqueue_indirect_dma source(%dma_start3A_129 : memref<8192x1024xf32, #tpu.memory_space<hbm>>) target(%arg7 : memref<16x1024xf32, #tpu.memory_space<vmem>>) offsets(%dma_start3A_126 : memref<16xi32, #tpu.memory_space<vmem>>) semaphore(%arg14 : memref<!tpu.dma_semaphore, #tpu.memory_space<semaphore_mem>>)
    %dma_wait3A_130 = arith.constant 80 : i32
    %dma_wait3A_131 = tpu.memref_slice %arg5[%dma_wait3A_130] : memref<256xi32, #tpu.memory_space<vmem>> -> memref<16xi32, #tpu.memory_space<vmem>>
    %dma_wait3A_132 = arith.constant 0 : i32
    %dma_wait3A_133 = arith.constant 0 : i32
    %dma_wait3A_134 = tpu.memref_slice %arg2[%dma_wait3A_132, %dma_wait3A_133] : memref<8192x1024xf32, #tpu.memory_space<hbm>> -> memref<8192x1024xf32, #tpu.memory_space<hbm>>
    tpu.wait_indirect_dma semaphore(%arg18 : memref<!tpu.dma_semaphore, #tpu.memory_space<semaphore_mem>>) src(%dma_wait3A_134 : memref<8192x1024xf32, #tpu.memory_space<hbm>>) dst(%arg11 : memref<16x1024xf32, #tpu.memory_space<vmem>>)
    %add3A_135 = arith.constant 80 : i32
    %add3A_136 = arith.addi %mul3A_2, %add3A_135 : i32
    %dma_start3A_137 = arith.constant 0 : i32
    %dma_start3A_138 = arith.constant 0 : i32
    %dma_start3A_139 = tpu.memref_slice %arg4[%dma_start3A_137, %add3A_136, %dma_start3A_138] : memref<1x8192x1024xf32, #tpu.memory_space<hbm>> -> memref<1x16x1024xf32, #tpu.memory_space<hbm>>
    %dma_start3A_140 = tpu.memref_squeeze %dma_start3A_139 : memref<1x16x1024xf32, #tpu.memory_space<hbm>> -> memref<16x1024xf32, #tpu.memory_space<hbm>>
    %dma_start3A_141 = arith.constant 0 : i32
    %dma_start3A_142 = tpu.memref_slice %arg4[%dma_start3A_137, %add3A_136, %dma_start3A_141] : memref<1x8192x1024xf32, #tpu.memory_space<hbm>> -> memref<1x16x1024xf32, #tpu.memory_space<hbm>>
    %dma_start3A_143 = tpu.memref_squeeze %dma_start3A_142 : memref<1x16x1024xf32, #tpu.memory_space<hbm>> -> memref<16x1024xf32, #tpu.memory_space<hbm>>
    tpu.enqueue_dma source(%arg11 : memref<16x1024xf32, #tpu.memory_space<vmem>>) target(%dma_start3A_143 : memref<16x1024xf32, #tpu.memory_space<hbm>>) target_semaphore(%arg25 : memref<!tpu.dma_semaphore, #tpu.memory_space<semaphore_mem>>)
    %dma_wait3A_144 = arith.constant 0 : i32
    %dma_wait3A_145 = arith.constant 0 : i32
    %dma_wait3A_146 = tpu.memref_slice %arg4[%dma_wait3A_144, %add3A_65, %dma_wait3A_145] : memref<1x8192x1024xf32, #tpu.memory_space<hbm>> -> memref<1x16x1024xf32, #tpu.memory_space<hbm>>
    %dma_wait3A_147 = tpu.memref_squeeze %dma_wait3A_146 : memref<1x16x1024xf32, #tpu.memory_space<hbm>> -> memref<16x1024xf32, #tpu.memory_space<hbm>>
    %dma_wait3A_148 = arith.constant 0 : i32
    %dma_wait3A_149 = tpu.memref_slice %arg4[%dma_wait3A_144, %add3A_65, %dma_wait3A_148] : memref<1x8192x1024xf32, #tpu.memory_space<hbm>> -> memref<1x16x1024xf32, #tpu.memory_space<hbm>>
    %dma_wait3A_150 = tpu.memref_squeeze %dma_wait3A_149 : memref<1x16x1024xf32, #tpu.memory_space<hbm>> -> memref<16x1024xf32, #tpu.memory_space<hbm>>
    tpu.wait_dma2 semaphore(%arg22 : memref<!tpu.dma_semaphore, #tpu.memory_space<semaphore_mem>>) src(%arg8 : memref<16x1024xf32, #tpu.memory_space<vmem>>) dst(%dma_wait3A_150 : memref<16x1024xf32, #tpu.memory_space<hbm>>)
    %dma_start3A_151 = arith.constant 144 : i32
    %dma_start3A_152 = tpu.memref_slice %arg5[%dma_start3A_151] : memref<256xi32, #tpu.memory_space<vmem>> -> memref<16xi32, #tpu.memory_space<vmem>>
    %dma_start3A_153 = arith.constant 0 : i32
    %dma_start3A_154 = arith.constant 0 : i32
    %dma_start3A_155 = tpu.memref_slice %arg2[%dma_start3A_153, %dma_start3A_154] : memref<8192x1024xf32, #tpu.memory_space<hbm>> -> memref<8192x1024xf32, #tpu.memory_space<hbm>>
    tpu.enqueue_indirect_dma source(%dma_start3A_155 : memref<8192x1024xf32, #tpu.memory_space<hbm>>) target(%arg8 : memref<16x1024xf32, #tpu.memory_space<vmem>>) offsets(%dma_start3A_152 : memref<16xi32, #tpu.memory_space<vmem>>) semaphore(%arg15 : memref<!tpu.dma_semaphore, #tpu.memory_space<semaphore_mem>>)
    %dma_wait3A_156 = arith.constant 96 : i32
    %dma_wait3A_157 = tpu.memref_slice %arg5[%dma_wait3A_156] : memref<256xi32, #tpu.memory_space<vmem>> -> memref<16xi32, #tpu.memory_space<vmem>>
    %dma_wait3A_158 = arith.constant 0 : i32
    %dma_wait3A_159 = arith.constant 0 : i32
    %dma_wait3A_160 = tpu.memref_slice %arg2[%dma_wait3A_158, %dma_wait3A_159] : memref<8192x1024xf32, #tpu.memory_space<hbm>> -> memref<8192x1024xf32, #tpu.memory_space<hbm>>
    tpu.wait_indirect_dma semaphore(%arg19 : memref<!tpu.dma_semaphore, #tpu.memory_space<semaphore_mem>>) src(%dma_wait3A_160 : memref<8192x1024xf32, #tpu.memory_space<hbm>>) dst(%arg12 : memref<16x1024xf32, #tpu.memory_space<vmem>>)
    %add3A_161 = arith.constant 96 : i32
    %add3A_162 = arith.addi %mul3A_2, %add3A_161 : i32
    %dma_start3A_163 = arith.constant 0 : i32
    %dma_start3A_164 = arith.constant 0 : i32
    %dma_start3A_165 = tpu.memref_slice %arg4[%dma_start3A_163, %add3A_162, %dma_start3A_164] : memref<1x8192x1024xf32, #tpu.memory_space<hbm>> -> memref<1x16x1024xf32, #tpu.memory_space<hbm>>
    %dma_start3A_166 = tpu.memref_squeeze %dma_start3A_165 : memref<1x16x1024xf32, #tpu.memory_space<hbm>> -> memref<16x1024xf32, #tpu.memory_space<hbm>>
    %dma_start3A_167 = arith.constant 0 : i32
    %dma_start3A_168 = tpu.memref_slice %arg4[%dma_start3A_163, %add3A_162, %dma_start3A_167] : memref<1x8192x1024xf32, #tpu.memory_space<hbm>> -> memref<1x16x1024xf32, #tpu.memory_space<hbm>>
    %dma_start3A_169 = tpu.memref_squeeze %dma_start3A_168 : memref<1x16x1024xf32, #tpu.memory_space<hbm>> -> memref<16x1024xf32, #tpu.memory_space<hbm>>
    tpu.enqueue_dma source(%arg12 : memref<16x1024xf32, #tpu.memory_space<vmem>>) target(%dma_start3A_169 : memref<16x1024xf32, #tpu.memory_space<hbm>>) target_semaphore(%arg26 : memref<!tpu.dma_semaphore, #tpu.memory_space<semaphore_mem>>)
    %dma_wait3A_170 = arith.constant 0 : i32
    %dma_wait3A_171 = arith.constant 0 : i32
    %dma_wait3A_172 = tpu.memref_slice %arg4[%dma_wait3A_170, %add3A_84, %dma_wait3A_171] : memref<1x8192x1024xf32, #tpu.memory_space<hbm>> -> memref<1x16x1024xf32, #tpu.memory_space<hbm>>
    %dma_wait3A_173 = tpu.memref_squeeze %dma_wait3A_172 : memref<1x16x1024xf32, #tpu.memory_space<hbm>> -> memref<16x1024xf32, #tpu.memory_space<hbm>>
    %dma_wait3A_174 = arith.constant 0 : i32
    %dma_wait3A_175 = tpu.memref_slice %arg4[%dma_wait3A_170, %add3A_84, %dma_wait3A_174] : memref<1x8192x1024xf32, #tpu.memory_space<hbm>> -> memref<1x16x1024xf32, #tpu.memory_space<hbm>>
    %dma_wait3A_176 = tpu.memref_squeeze %dma_wait3A_175 : memref<1x16x1024xf32, #tpu.memory_space<hbm>> -> memref<16x1024xf32, #tpu.memory_space<hbm>>
    tpu.wait_dma2 semaphore(%arg23 : memref<!tpu.dma_semaphore, #tpu.memory_space<semaphore_mem>>) src(%arg9 : memref<16x1024xf32, #tpu.memory_space<vmem>>) dst(%dma_wait3A_176 : memref<16x1024xf32, #tpu.memory_space<hbm>>)
    %dma_start3A_177 = arith.constant 160 : i32
    %dma_start3A_178 = tpu.memref_slice %arg5[%dma_start3A_177] : memref<256xi32, #tpu.memory_space<vmem>> -> memref<16xi32, #tpu.memory_space<vmem>>
    %dma_start3A_179 = arith.constant 0 : i32
    %dma_start3A_180 = arith.constant 0 : i32
    %dma_start3A_181 = tpu.memref_slice %arg2[%dma_start3A_179, %dma_start3A_180] : memref<8192x1024xf32, #tpu.memory_space<hbm>> -> memref<8192x1024xf32, #tpu.memory_space<hbm>>
    tpu.enqueue_indirect_dma source(%dma_start3A_181 : memref<8192x1024xf32, #tpu.memory_space<hbm>>) target(%arg9 : memref<16x1024xf32, #tpu.memory_space<vmem>>) offsets(%dma_start3A_178 : memref<16xi32, #tpu.memory_space<vmem>>) semaphore(%arg16 : memref<!tpu.dma_semaphore, #tpu.memory_space<semaphore_mem>>)
    %dma_wait3A_182 = arith.constant 112 : i32
    %dma_wait3A_183 = tpu.memref_slice %arg5[%dma_wait3A_182] : memref<256xi32, #tpu.memory_space<vmem>> -> memref<16xi32, #tpu.memory_space<vmem>>
    %dma_wait3A_184 = arith.constant 0 : i32
    %dma_wait3A_185 = arith.constant 0 : i32
    %dma_wait3A_186 = tpu.memref_slice %arg2[%dma_wait3A_184, %dma_wait3A_185] : memref<8192x1024xf32, #tpu.memory_space<hbm>> -> memref<8192x1024xf32, #tpu.memory_space<hbm>>
    tpu.wait_indirect_dma semaphore(%arg13 : memref<!tpu.dma_semaphore, #tpu.memory_space<semaphore_mem>>) src(%dma_wait3A_186 : memref<8192x1024xf32, #tpu.memory_space<hbm>>) dst(%arg6 : memref<16x1024xf32, #tpu.memory_space<vmem>>)
    %add3A_187 = arith.constant 112 : i32
    %add3A_188 = arith.addi %mul3A_2, %add3A_187 : i32
    %dma_start3A_189 = arith.constant 0 : i32
    %dma_start3A_190 = arith.constant 0 : i32
    %dma_start3A_191 = tpu.memref_slice %arg4[%dma_start3A_189, %add3A_188, %dma_start3A_190] : memref<1x8192x1024xf32, #tpu.memory_space<hbm>> -> memref<1x16x1024xf32, #tpu.memory_space<hbm>>
    %dma_start3A_192 = tpu.memref_squeeze %dma_start3A_191 : memref<1x16x1024xf32, #tpu.memory_space<hbm>> -> memref<16x1024xf32, #tpu.memory_space<hbm>>
    %dma_start3A_193 = arith.constant 0 : i32
    %dma_start3A_194 = tpu.memref_slice %arg4[%dma_start3A_189, %add3A_188, %dma_start3A_193] : memref<1x8192x1024xf32, #tpu.memory_space<hbm>> -> memref<1x16x1024xf32, #tpu.memory_space<hbm>>
    %dma_start3A_195 = tpu.memref_squeeze %dma_start3A_194 : memref<1x16x1024xf32, #tpu.memory_space<hbm>> -> memref<16x1024xf32, #tpu.memory_space<hbm>>
    tpu.enqueue_dma source(%arg6 : memref<16x1024xf32, #tpu.memory_space<vmem>>) target(%dma_start3A_195 : memref<16x1024xf32, #tpu.memory_space<hbm>>) target_semaphore(%arg20 : memref<!tpu.dma_semaphore, #tpu.memory_space<semaphore_mem>>)
    %dma_wait3A_196 = arith.constant 0 : i32
    %dma_wait3A_197 = arith.constant 0 : i32
    %dma_wait3A_198 = tpu.memref_slice %arg4[%dma_wait3A_196, %add3A_110, %dma_wait3A_197] : memref<1x8192x1024xf32, #tpu.memory_space<hbm>> -> memref<1x16x1024xf32, #tpu.memory_space<hbm>>
    %dma_wait3A_199 = tpu.memref_squeeze %dma_wait3A_198 : memref<1x16x1024xf32, #tpu.memory_space<hbm>> -> memref<16x1024xf32, #tpu.memory_space<hbm>>
    %dma_wait3A_200 = arith.constant 0 : i32
    %dma_wait3A_201 = tpu.memref_slice %arg4[%dma_wait3A_196, %add3A_110, %dma_wait3A_200] : memref<1x8192x1024xf32, #tpu.memory_space<hbm>> -> memref<1x16x1024xf32, #tpu.memory_space<hbm>>
    %dma_wait3A_202 = tpu.memref_squeeze %dma_wait3A_201 : memref<1x16x1024xf32, #tpu.memory_space<hbm>> -> memref<16x1024xf32, #tpu.memory_space<hbm>>
    tpu.wait_dma2 semaphore(%arg24 : memref<!tpu.dma_semaphore, #tpu.memory_space<semaphore_mem>>) src(%arg10 : memref<16x1024xf32, #tpu.memory_space<vmem>>) dst(%dma_wait3A_202 : memref<16x1024xf32, #tpu.memory_space<hbm>>)
    %dma_start3A_203 = arith.constant 176 : i32
    %dma_start3A_204 = tpu.memref_slice %arg5[%dma_start3A_203] : memref<256xi32, #tpu.memory_space<vmem>> -> memref<16xi32, #tpu.memory_space<vmem>>
    %dma_start3A_205 = arith.constant 0 : i32
    %dma_start3A_206 = arith.constant 0 : i32
    %dma_start3A_207 = tpu.memref_slice %arg2[%dma_start3A_205, %dma_start3A_206] : memref<8192x1024xf32, #tpu.memory_space<hbm>> -> memref<8192x1024xf32, #tpu.memory_space<hbm>>
    tpu.enqueue_indirect_dma source(%dma_start3A_207 : memref<8192x1024xf32, #tpu.memory_space<hbm>>) target(%arg10 : memref<16x1024xf32, #tpu.memory_space<vmem>>) offsets(%dma_start3A_204 : memref<16xi32, #tpu.memory_space<vmem>>) semaphore(%arg17 : memref<!tpu.dma_semaphore, #tpu.memory_space<semaphore_mem>>)
    %dma_wait3A_208 = arith.constant 128 : i32
    %dma_wait3A_209 = tpu.memref_slice %arg5[%dma_wait3A_208] : memref<256xi32, #tpu.memory_space<vmem>> -> memref<16xi32, #tpu.memory_space<vmem>>
    %dma_wait3A_210 = arith.constant 0 : i32
    %dma_wait3A_211 = arith.constant 0 : i32
    %dma_wait3A_212 = tpu.memref_slice %arg2[%dma_wait3A_210, %dma_wait3A_211] : memref<8192x1024xf32, #tpu.memory_space<hbm>> -> memref<8192x1024xf32, #tpu.memory_space<hbm>>
    tpu.wait_indirect_dma semaphore(%arg14 : memref<!tpu.dma_semaphore, #tpu.memory_space<semaphore_mem>>) src(%dma_wait3A_212 : memref<8192x1024xf32, #tpu.memory_space<hbm>>) dst(%arg7 : memref<16x1024xf32, #tpu.memory_space<vmem>>)
    %add3A_213 = arith.constant 128 : i32
    %add3A_214 = arith.addi %mul3A_2, %add3A_213 : i32
    %dma_start3A_215 = arith.constant 0 : i32
    %dma_start3A_216 = arith.constant 0 : i32
    %dma_start3A_217 = tpu.memref_slice %arg4[%dma_start3A_215, %add3A_214, %dma_start3A_216] : memref<1x8192x1024xf32, #tpu.memory_space<hbm>> -> memref<1x16x1024xf32, #tpu.memory_space<hbm>>
    %dma_start3A_218 = tpu.memref_squeeze %dma_start3A_217 : memref<1x16x1024xf32, #tpu.memory_space<hbm>> -> memref<16x1024xf32, #tpu.memory_space<hbm>>
    %dma_start3A_219 = arith.constant 0 : i32
    %dma_start3A_220 = tpu.memref_slice %arg4[%dma_start3A_215, %add3A_214, %dma_start3A_219] : memref<1x8192x1024xf32, #tpu.memory_space<hbm>> -> memref<1x16x1024xf32, #tpu.memory_space<hbm>>
    %dma_start3A_221 = tpu.memref_squeeze %dma_start3A_220 : memref<1x16x1024xf32, #tpu.memory_space<hbm>> -> memref<16x1024xf32, #tpu.memory_space<hbm>>
    tpu.enqueue_dma source(%arg7 : memref<16x1024xf32, #tpu.memory_space<vmem>>) target(%dma_start3A_221 : memref<16x1024xf32, #tpu.memory_space<hbm>>) target_semaphore(%arg21 : memref<!tpu.dma_semaphore, #tpu.memory_space<semaphore_mem>>)
    %dma_wait3A_222 = arith.constant 0 : i32
    %dma_wait3A_223 = arith.constant 0 : i32
    %dma_wait3A_224 = tpu.memref_slice %arg4[%dma_wait3A_222, %add3A_136, %dma_wait3A_223] : memref<1x8192x1024xf32, #tpu.memory_space<hbm>> -> memref<1x16x1024xf32, #tpu.memory_space<hbm>>
    %dma_wait3A_225 = tpu.memref_squeeze %dma_wait3A_224 : memref<1x16x1024xf32, #tpu.memory_space<hbm>> -> memref<16x1024xf32, #tpu.memory_space<hbm>>
    %dma_wait3A_226 = arith.constant 0 : i32
    %dma_wait3A_227 = tpu.memref_slice %arg4[%dma_wait3A_222, %add3A_136, %dma_wait3A_226] : memref<1x8192x1024xf32, #tpu.memory_space<hbm>> -> memref<1x16x1024xf32, #tpu.memory_space<hbm>>
    %dma_wait3A_228 = tpu.memref_squeeze %dma_wait3A_227 : memref<1x16x1024xf32, #tpu.memory_space<hbm>> -> memref<16x1024xf32, #tpu.memory_space<hbm>>
    tpu.wait_dma2 semaphore(%arg25 : memref<!tpu.dma_semaphore, #tpu.memory_space<semaphore_mem>>) src(%arg11 : memref<16x1024xf32, #tpu.memory_space<vmem>>) dst(%dma_wait3A_228 : memref<16x1024xf32, #tpu.memory_space<hbm>>)
    %dma_start3A_229 = arith.constant 192 : i32
    %dma_start3A_230 = tpu.memref_slice %arg5[%dma_start3A_229] : memref<256xi32, #tpu.memory_space<vmem>> -> memref<16xi32, #tpu.memory_space<vmem>>
    %dma_start3A_231 = arith.constant 0 : i32
    %dma_start3A_232 = arith.constant 0 : i32
    %dma_start3A_233 = tpu.memref_slice %arg2[%dma_start3A_231, %dma_start3A_232] : memref<8192x1024xf32, #tpu.memory_space<hbm>> -> memref<8192x1024xf32, #tpu.memory_space<hbm>>
    tpu.enqueue_indirect_dma source(%dma_start3A_233 : memref<8192x1024xf32, #tpu.memory_space<hbm>>) target(%arg11 : memref<16x1024xf32, #tpu.memory_space<vmem>>) offsets(%dma_start3A_230 : memref<16xi32, #tpu.memory_space<vmem>>) semaphore(%arg18 : memref<!tpu.dma_semaphore, #tpu.memory_space<semaphore_mem>>)
    %dma_wait3A_234 = arith.constant 144 : i32
    %dma_wait3A_235 = tpu.memref_slice %arg5[%dma_wait3A_234] : memref<256xi32, #tpu.memory_space<vmem>> -> memref<16xi32, #tpu.memory_space<vmem>>
    %dma_wait3A_236 = arith.constant 0 : i32
    %dma_wait3A_237 = arith.constant 0 : i32
    %dma_wait3A_238 = tpu.memref_slice %arg2[%dma_wait3A_236, %dma_wait3A_237] : memref<8192x1024xf32, #tpu.memory_space<hbm>> -> memref<8192x1024xf32, #tpu.memory_space<hbm>>
    tpu.wait_indirect_dma semaphore(%arg15 : memref<!tpu.dma_semaphore, #tpu.memory_space<semaphore_mem>>) src(%dma_wait3A_238 : memref<8192x1024xf32, #tpu.memory_space<hbm>>) dst(%arg8 : memref<16x1024xf32, #tpu.memory_space<vmem>>)
    %add3A_239 = arith.constant 144 : i32
    %add3A_240 = arith.addi %mul3A_2, %add3A_239 : i32
    %dma_start3A_241 = arith.constant 0 : i32
    %dma_start3A_242 = arith.constant 0 : i32
    %dma_start3A_243 = tpu.memref_slice %arg4[%dma_start3A_241, %add3A_240, %dma_start3A_242] : memref<1x8192x1024xf32, #tpu.memory_space<hbm>> -> memref<1x16x1024xf32, #tpu.memory_space<hbm>>
    %dma_start3A_244 = tpu.memref_squeeze %dma_start3A_243 : memref<1x16x1024xf32, #tpu.memory_space<hbm>> -> memref<16x1024xf32, #tpu.memory_space<hbm>>
    %dma_start3A_245 = arith.constant 0 : i32
    %dma_start3A_246 = tpu.memref_slice %arg4[%dma_start3A_241, %add3A_240, %dma_start3A_245] : memref<1x8192x1024xf32, #tpu.memory_space<hbm>> -> memref<1x16x1024xf32, #tpu.memory_space<hbm>>
    %dma_start3A_247 = tpu.memref_squeeze %dma_start3A_246 : memref<1x16x1024xf32, #tpu.memory_space<hbm>> -> memref<16x1024xf32, #tpu.memory_space<hbm>>
    tpu.enqueue_dma source(%arg8 : memref<16x1024xf32, #tpu.memory_space<vmem>>) target(%dma_start3A_247 : memref<16x1024xf32, #tpu.memory_space<hbm>>) target_semaphore(%arg22 : memref<!tpu.dma_semaphore, #tpu.memory_space<semaphore_mem>>)
    %dma_wait3A_248 = arith.constant 0 : i32
    %dma_wait3A_249 = arith.constant 0 : i32
    %dma_wait3A_250 = tpu.memref_slice %arg4[%dma_wait3A_248, %add3A_162, %dma_wait3A_249] : memref<1x8192x1024xf32, #tpu.memory_space<hbm>> -> memref<1x16x1024xf32, #tpu.memory_space<hbm>>
    %dma_wait3A_251 = tpu.memref_squeeze %dma_wait3A_250 : memref<1x16x1024xf32, #tpu.memory_space<hbm>> -> memref<16x1024xf32, #tpu.memory_space<hbm>>
    %dma_wait3A_252 = arith.constant 0 : i32
    %dma_wait3A_253 = tpu.memref_slice %arg4[%dma_wait3A_248, %add3A_162, %dma_wait3A_252] : memref<1x8192x1024xf32, #tpu.memory_space<hbm>> -> memref<1x16x1024xf32, #tpu.memory_space<hbm>>
    %dma_wait3A_254 = tpu.memref_squeeze %dma_wait3A_253 : memref<1x16x1024xf32, #tpu.memory_space<hbm>> -> memref<16x1024xf32, #tpu.memory_space<hbm>>
    tpu.wait_dma2 semaphore(%arg26 : memref<!tpu.dma_semaphore, #tpu.memory_space<semaphore_mem>>) src(%arg12 : memref<16x1024xf32, #tpu.memory_space<vmem>>) dst(%dma_wait3A_254 : memref<16x1024xf32, #tpu.memory_space<hbm>>)
    %dma_start3A_255 = arith.constant 208 : i32
    %dma_start3A_256 = tpu.memref_slice %arg5[%dma_start3A_255] : memref<256xi32, #tpu.memory_space<vmem>> -> memref<16xi32, #tpu.memory_space<vmem>>
    %dma_start3A_257 = arith.constant 0 : i32
    %dma_start3A_258 = arith.constant 0 : i32
    %dma_start3A_259 = tpu.memref_slice %arg2[%dma_start3A_257, %dma_start3A_258] : memref<8192x1024xf32, #tpu.memory_space<hbm>> -> memref<8192x1024xf32, #tpu.memory_space<hbm>>
    tpu.enqueue_indirect_dma source(%dma_start3A_259 : memref<8192x1024xf32, #tpu.memory_space<hbm>>) target(%arg12 : memref<16x1024xf32, #tpu.memory_space<vmem>>) offsets(%dma_start3A_256 : memref<16xi32, #tpu.memory_space<vmem>>) semaphore(%arg19 : memref<!tpu.dma_semaphore, #tpu.memory_space<semaphore_mem>>)
    %dma_wait3A_260 = arith.constant 160 : i32
    %dma_wait3A_261 = tpu.memref_slice %arg5[%dma_wait3A_260] : memref<256xi32, #tpu.memory_space<vmem>> -> memref<16xi32, #tpu.memory_space<vmem>>
    %dma_wait3A_262 = arith.constant 0 : i32
    %dma_wait3A_263 = arith.constant 0 : i32
    %dma_wait3A_264 = tpu.memref_slice %arg2[%dma_wait3A_262, %dma_wait3A_263] : memref<8192x1024xf32, #tpu.memory_space<hbm>> -> memref<8192x1024xf32, #tpu.memory_space<hbm>>
    tpu.wait_indirect_dma semaphore(%arg16 : memref<!tpu.dma_semaphore, #tpu.memory_space<semaphore_mem>>) src(%dma_wait3A_264 : memref<8192x1024xf32, #tpu.memory_space<hbm>>) dst(%arg9 : memref<16x1024xf32, #tpu.memory_space<vmem>>)
    %add3A_265 = arith.constant 160 : i32
    %add3A_266 = arith.addi %mul3A_2, %add3A_265 : i32
    %dma_start3A_267 = arith.constant 0 : i32
    %dma_start3A_268 = arith.constant 0 : i32
    %dma_start3A_269 = tpu.memref_slice %arg4[%dma_start3A_267, %add3A_266, %dma_start3A_268] : memref<1x8192x1024xf32, #tpu.memory_space<hbm>> -> memref<1x16x1024xf32, #tpu.memory_space<hbm>>
    %dma_start3A_270 = tpu.memref_squeeze %dma_start3A_269 : memref<1x16x1024xf32, #tpu.memory_space<hbm>> -> memref<16x1024xf32, #tpu.memory_space<hbm>>
    %dma_start3A_271 = arith.constant 0 : i32
    %dma_start3A_272 = tpu.memref_slice %arg4[%dma_start3A_267, %add3A_266, %dma_start3A_271] : memref<1x8192x1024xf32, #tpu.memory_space<hbm>> -> memref<1x16x1024xf32, #tpu.memory_space<hbm>>
    %dma_start3A_273 = tpu.memref_squeeze %dma_start3A_272 : memref<1x16x1024xf32, #tpu.memory_space<hbm>> -> memref<16x1024xf32, #tpu.memory_space<hbm>>
    tpu.enqueue_dma source(%arg9 : memref<16x1024xf32, #tpu.memory_space<vmem>>) target(%dma_start3A_273 : memref<16x1024xf32, #tpu.memory_space<hbm>>) target_semaphore(%arg23 : memref<!tpu.dma_semaphore, #tpu.memory_space<semaphore_mem>>)
    %dma_wait3A_274 = arith.constant 0 : i32
    %dma_wait3A_275 = arith.constant 0 : i32
    %dma_wait3A_276 = tpu.memref_slice %arg4[%dma_wait3A_274, %add3A_188, %dma_wait3A_275] : memref<1x8192x1024xf32, #tpu.memory_space<hbm>> -> memref<1x16x1024xf32, #tpu.memory_space<hbm>>
    %dma_wait3A_277 = tpu.memref_squeeze %dma_wait3A_276 : memref<1x16x1024xf32, #tpu.memory_space<hbm>> -> memref<16x1024xf32, #tpu.memory_space<hbm>>
    %dma_wait3A_278 = arith.constant 0 : i32
    %dma_wait3A_279 = tpu.memref_slice %arg4[%dma_wait3A_274, %add3A_188, %dma_wait3A_278] : memref<1x8192x1024xf32, #tpu.memory_space<hbm>> -> memref<1x16x1024xf32, #tpu.memory_space<hbm>>
    %dma_wait3A_280 = tpu.memref_squeeze %dma_wait3A_279 : memref<1x16x1024xf32, #tpu.memory_space<hbm>> -> memref<16x1024xf32, #tpu.memory_space<hbm>>
    tpu.wait_dma2 semaphore(%arg20 : memref<!tpu.dma_semaphore, #tpu.memory_space<semaphore_mem>>) src(%arg6 : memref<16x1024xf32, #tpu.memory_space<vmem>>) dst(%dma_wait3A_280 : memref<16x1024xf32, #tpu.memory_space<hbm>>)
    %dma_start3A_281 = arith.constant 224 : i32
    %dma_start3A_282 = tpu.memref_slice %arg5[%dma_start3A_281] : memref<256xi32, #tpu.memory_space<vmem>> -> memref<16xi32, #tpu.memory_space<vmem>>
    %dma_start3A_283 = arith.constant 0 : i32
    %dma_start3A_284 = arith.constant 0 : i32
    %dma_start3A_285 = tpu.memref_slice %arg2[%dma_start3A_283, %dma_start3A_284] : memref<8192x1024xf32, #tpu.memory_space<hbm>> -> memref<8192x1024xf32, #tpu.memory_space<hbm>>
    tpu.enqueue_indirect_dma source(%dma_start3A_285 : memref<8192x1024xf32, #tpu.memory_space<hbm>>) target(%arg6 : memref<16x1024xf32, #tpu.memory_space<vmem>>) offsets(%dma_start3A_282 : memref<16xi32, #tpu.memory_space<vmem>>) semaphore(%arg13 : memref<!tpu.dma_semaphore, #tpu.memory_space<semaphore_mem>>)
    %dma_wait3A_286 = arith.constant 176 : i32
    %dma_wait3A_287 = tpu.memref_slice %arg5[%dma_wait3A_286] : memref<256xi32, #tpu.memory_space<vmem>> -> memref<16xi32, #tpu.memory_space<vmem>>
    %dma_wait3A_288 = arith.constant 0 : i32
    %dma_wait3A_289 = arith.constant 0 : i32
    %dma_wait3A_290 = tpu.memref_slice %arg2[%dma_wait3A_288, %dma_wait3A_289] : memref<8192x1024xf32, #tpu.memory_space<hbm>> -> memref<8192x1024xf32, #tpu.memory_space<hbm>>
    tpu.wait_indirect_dma semaphore(%arg17 : memref<!tpu.dma_semaphore, #tpu.memory_space<semaphore_mem>>) src(%dma_wait3A_290 : memref<8192x1024xf32, #tpu.memory_space<hbm>>) dst(%arg10 : memref<16x1024xf32, #tpu.memory_space<vmem>>)
    %add3A_291 = arith.constant 176 : i32
    %add3A_292 = arith.addi %mul3A_2, %add3A_291 : i32
    %dma_start3A_293 = arith.constant 0 : i32
    %dma_start3A_294 = arith.constant 0 : i32
    %dma_start3A_295 = tpu.memref_slice %arg4[%dma_start3A_293, %add3A_292, %dma_start3A_294] : memref<1x8192x1024xf32, #tpu.memory_space<hbm>> -> memref<1x16x1024xf32, #tpu.memory_space<hbm>>
    %dma_start3A_296 = tpu.memref_squeeze %dma_start3A_295 : memref<1x16x1024xf32, #tpu.memory_space<hbm>> -> memref<16x1024xf32, #tpu.memory_space<hbm>>
    %dma_start3A_297 = arith.constant 0 : i32
    %dma_start3A_298 = tpu.memref_slice %arg4[%dma_start3A_293, %add3A_292, %dma_start3A_297] : memref<1x8192x1024xf32, #tpu.memory_space<hbm>> -> memref<1x16x1024xf32, #tpu.memory_space<hbm>>
    %dma_start3A_299 = tpu.memref_squeeze %dma_start3A_298 : memref<1x16x1024xf32, #tpu.memory_space<hbm>> -> memref<16x1024xf32, #tpu.memory_space<hbm>>
    tpu.enqueue_dma source(%arg10 : memref<16x1024xf32, #tpu.memory_space<vmem>>) target(%dma_start3A_299 : memref<16x1024xf32, #tpu.memory_space<hbm>>) target_semaphore(%arg24 : memref<!tpu.dma_semaphore, #tpu.memory_space<semaphore_mem>>)
    %dma_wait3A_300 = arith.constant 0 : i32
    %dma_wait3A_301 = arith.constant 0 : i32
    %dma_wait3A_302 = tpu.memref_slice %arg4[%dma_wait3A_300, %add3A_214, %dma_wait3A_301] : memref<1x8192x1024xf32, #tpu.memory_space<hbm>> -> memref<1x16x1024xf32, #tpu.memory_space<hbm>>
    %dma_wait3A_303 = tpu.memref_squeeze %dma_wait3A_302 : memref<1x16x1024xf32, #tpu.memory_space<hbm>> -> memref<16x1024xf32, #tpu.memory_space<hbm>>
    %dma_wait3A_304 = arith.constant 0 : i32
    %dma_wait3A_305 = tpu.memref_slice %arg4[%dma_wait3A_300, %add3A_214, %dma_wait3A_304] : memref<1x8192x1024xf32, #tpu.memory_space<hbm>> -> memref<1x16x1024xf32, #tpu.memory_space<hbm>>
    %dma_wait3A_306 = tpu.memref_squeeze %dma_wait3A_305 : memref<1x16x1024xf32, #tpu.memory_space<hbm>> -> memref<16x1024xf32, #tpu.memory_space<hbm>>
    tpu.wait_dma2 semaphore(%arg21 : memref<!tpu.dma_semaphore, #tpu.memory_space<semaphore_mem>>) src(%arg7 : memref<16x1024xf32, #tpu.memory_space<vmem>>) dst(%dma_wait3A_306 : memref<16x1024xf32, #tpu.memory_space<hbm>>)
    %dma_start3A_307 = arith.constant 240 : i32
    %dma_start3A_308 = tpu.memref_slice %arg5[%dma_start3A_307] : memref<256xi32, #tpu.memory_space<vmem>> -> memref<16xi32, #tpu.memory_space<vmem>>
    %dma_start3A_309 = arith.constant 0 : i32
    %dma_start3A_310 = arith.constant 0 : i32
    %dma_start3A_311 = tpu.memref_slice %arg2[%dma_start3A_309, %dma_start3A_310] : memref<8192x1024xf32, #tpu.memory_space<hbm>> -> memref<8192x1024xf32, #tpu.memory_space<hbm>>
    tpu.enqueue_indirect_dma source(%dma_start3A_311 : memref<8192x1024xf32, #tpu.memory_space<hbm>>) target(%arg7 : memref<16x1024xf32, #tpu.memory_space<vmem>>) offsets(%dma_start3A_308 : memref<16xi32, #tpu.memory_space<vmem>>) semaphore(%arg14 : memref<!tpu.dma_semaphore, #tpu.memory_space<semaphore_mem>>)
    %dma_wait3A_312 = arith.constant 192 : i32
    %dma_wait3A_313 = tpu.memref_slice %arg5[%dma_wait3A_312] : memref<256xi32, #tpu.memory_space<vmem>> -> memref<16xi32, #tpu.memory_space<vmem>>
    %dma_wait3A_314 = arith.constant 0 : i32
    %dma_wait3A_315 = arith.constant 0 : i32
    %dma_wait3A_316 = tpu.memref_slice %arg2[%dma_wait3A_314, %dma_wait3A_315] : memref<8192x1024xf32, #tpu.memory_space<hbm>> -> memref<8192x1024xf32, #tpu.memory_space<hbm>>
    tpu.wait_indirect_dma semaphore(%arg18 : memref<!tpu.dma_semaphore, #tpu.memory_space<semaphore_mem>>) src(%dma_wait3A_316 : memref<8192x1024xf32, #tpu.memory_space<hbm>>) dst(%arg11 : memref<16x1024xf32, #tpu.memory_space<vmem>>)
    %add3A_317 = arith.constant 192 : i32
    %add3A_318 = arith.addi %mul3A_2, %add3A_317 : i32
    %dma_start3A_319 = arith.constant 0 : i32
    %dma_start3A_320 = arith.constant 0 : i32
    %dma_start3A_321 = tpu.memref_slice %arg4[%dma_start3A_319, %add3A_318, %dma_start3A_320] : memref<1x8192x1024xf32, #tpu.memory_space<hbm>> -> memref<1x16x1024xf32, #tpu.memory_space<hbm>>
    %dma_start3A_322 = tpu.memref_squeeze %dma_start3A_321 : memref<1x16x1024xf32, #tpu.memory_space<hbm>> -> memref<16x1024xf32, #tpu.memory_space<hbm>>
    %dma_start3A_323 = arith.constant 0 : i32
    %dma_start3A_324 = tpu.memref_slice %arg4[%dma_start3A_319, %add3A_318, %dma_start3A_323] : memref<1x8192x1024xf32, #tpu.memory_space<hbm>> -> memref<1x16x1024xf32, #tpu.memory_space<hbm>>
    %dma_start3A_325 = tpu.memref_squeeze %dma_start3A_324 : memref<1x16x1024xf32, #tpu.memory_space<hbm>> -> memref<16x1024xf32, #tpu.memory_space<hbm>>
    tpu.enqueue_dma source(%arg11 : memref<16x1024xf32, #tpu.memory_space<vmem>>) target(%dma_start3A_325 : memref<16x1024xf32, #tpu.memory_space<hbm>>) target_semaphore(%arg25 : memref<!tpu.dma_semaphore, #tpu.memory_space<semaphore_mem>>)
    %dma_wait3A_326 = arith.constant 208 : i32
    %dma_wait3A_327 = tpu.memref_slice %arg5[%dma_wait3A_326] : memref<256xi32, #tpu.memory_space<vmem>> -> memref<16xi32, #tpu.memory_space<vmem>>
    %dma_wait3A_328 = arith.constant 0 : i32
    %dma_wait3A_329 = arith.constant 0 : i32
    %dma_wait3A_330 = tpu.memref_slice %arg2[%dma_wait3A_328, %dma_wait3A_329] : memref<8192x1024xf32, #tpu.memory_space<hbm>> -> memref<8192x1024xf32, #tpu.memory_space<hbm>>
    tpu.wait_indirect_dma semaphore(%arg19 : memref<!tpu.dma_semaphore, #tpu.memory_space<semaphore_mem>>) src(%dma_wait3A_330 : memref<8192x1024xf32, #tpu.memory_space<hbm>>) dst(%arg12 : memref<16x1024xf32, #tpu.memory_space<vmem>>)
    %add3A_331 = arith.constant 208 : i32
    %add3A_332 = arith.addi %mul3A_2, %add3A_331 : i32
    %dma_start3A_333 = arith.constant 0 : i32
    %dma_start3A_334 = arith.constant 0 : i32
    %dma_start3A_335 = tpu.memref_slice %arg4[%dma_start3A_333, %add3A_332, %dma_start3A_334] : memref<1x8192x1024xf32, #tpu.memory_space<hbm>> -> memref<1x16x1024xf32, #tpu.memory_space<hbm>>
    %dma_start3A_336 = tpu.memref_squeeze %dma_start3A_335 : memref<1x16x1024xf32, #tpu.memory_space<hbm>> -> memref<16x1024xf32, #tpu.memory_space<hbm>>
    %dma_start3A_337 = arith.constant 0 : i32
    %dma_start3A_338 = tpu.memref_slice %arg4[%dma_start3A_333, %add3A_332, %dma_start3A_337] : memref<1x8192x1024xf32, #tpu.memory_space<hbm>> -> memref<1x16x1024xf32, #tpu.memory_space<hbm>>
    %dma_start3A_339 = tpu.memref_squeeze %dma_start3A_338 : memref<1x16x1024xf32, #tpu.memory_space<hbm>> -> memref<16x1024xf32, #tpu.memory_space<hbm>>
    tpu.enqueue_dma source(%arg12 : memref<16x1024xf32, #tpu.memory_space<vmem>>) target(%dma_start3A_339 : memref<16x1024xf32, #tpu.memory_space<hbm>>) target_semaphore(%arg26 : memref<!tpu.dma_semaphore, #tpu.memory_space<semaphore_mem>>)
    %dma_wait3A_340 = arith.constant 224 : i32
    %dma_wait3A_341 = tpu.memref_slice %arg5[%dma_wait3A_340] : memref<256xi32, #tpu.memory_space<vmem>> -> memref<16xi32, #tpu.memory_space<vmem>>
    %dma_wait3A_342 = arith.constant 0 : i32
    %dma_wait3A_343 = arith.constant 0 : i32
    %dma_wait3A_344 = tpu.memref_slice %arg2[%dma_wait3A_342, %dma_wait3A_343] : memref<8192x1024xf32, #tpu.memory_space<hbm>> -> memref<8192x1024xf32, #tpu.memory_space<hbm>>
    tpu.wait_indirect_dma semaphore(%arg13 : memref<!tpu.dma_semaphore, #tpu.memory_space<semaphore_mem>>) src(%dma_wait3A_344 : memref<8192x1024xf32, #tpu.memory_space<hbm>>) dst(%arg6 : memref<16x1024xf32, #tpu.memory_space<vmem>>)
    %add3A_345 = arith.constant 224 : i32
    %add3A_346 = arith.addi %mul3A_2, %add3A_345 : i32
    %dma_start3A_347 = arith.constant 0 : i32
    %dma_start3A_348 = arith.constant 0 : i32
    %dma_start3A_349 = tpu.memref_slice %arg4[%dma_start3A_347, %add3A_346, %dma_start3A_348] : memref<1x8192x1024xf32, #tpu.memory_space<hbm>> -> memref<1x16x1024xf32, #tpu.memory_space<hbm>>
    %dma_start3A_350 = tpu.memref_squeeze %dma_start3A_349 : memref<1x16x1024xf32, #tpu.memory_space<hbm>> -> memref<16x1024xf32, #tpu.memory_space<hbm>>
    %dma_start3A_351 = arith.constant 0 : i32
    %dma_start3A_352 = tpu.memref_slice %arg4[%dma_start3A_347, %add3A_346, %dma_start3A_351] : memref<1x8192x1024xf32, #tpu.memory_space<hbm>> -> memref<1x16x1024xf32, #tpu.memory_space<hbm>>
    %dma_start3A_353 = tpu.memref_squeeze %dma_start3A_352 : memref<1x16x1024xf32, #tpu.memory_space<hbm>> -> memref<16x1024xf32, #tpu.memory_space<hbm>>
    tpu.enqueue_dma source(%arg6 : memref<16x1024xf32, #tpu.memory_space<vmem>>) target(%dma_start3A_353 : memref<16x1024xf32, #tpu.memory_space<hbm>>) target_semaphore(%arg20 : memref<!tpu.dma_semaphore, #tpu.memory_space<semaphore_mem>>)
    %dma_wait3A_354 = arith.constant 240 : i32
    %dma_wait3A_355 = tpu.memref_slice %arg5[%dma_wait3A_354] : memref<256xi32, #tpu.memory_space<vmem>> -> memref<16xi32, #tpu.memory_space<vmem>>
    %dma_wait3A_356 = arith.constant 0 : i32
    %dma_wait3A_357 = arith.constant 0 : i32
    %dma_wait3A_358 = tpu.memref_slice %arg2[%dma_wait3A_356, %dma_wait3A_357] : memref<8192x1024xf32, #tpu.memory_space<hbm>> -> memref<8192x1024xf32, #tpu.memory_space<hbm>>
    tpu.wait_indirect_dma semaphore(%arg14 : memref<!tpu.dma_semaphore, #tpu.memory_space<semaphore_mem>>) src(%dma_wait3A_358 : memref<8192x1024xf32, #tpu.memory_space<hbm>>) dst(%arg7 : memref<16x1024xf32, #tpu.memory_space<vmem>>)
    %add3A_359 = arith.constant 240 : i32
    %add3A_360 = arith.addi %mul3A_2, %add3A_359 : i32
    %dma_start3A_361 = arith.constant 0 : i32
    %dma_start3A_362 = arith.constant 0 : i32
    %dma_start3A_363 = tpu.memref_slice %arg4[%dma_start3A_361, %add3A_360, %dma_start3A_362] : memref<1x8192x1024xf32, #tpu.memory_space<hbm>> -> memref<1x16x1024xf32, #tpu.memory_space<hbm>>
    %dma_start3A_364 = tpu.memref_squeeze %dma_start3A_363 : memref<1x16x1024xf32, #tpu.memory_space<hbm>> -> memref<16x1024xf32, #tpu.memory_space<hbm>>
    %dma_start3A_365 = arith.constant 0 : i32
    %dma_start3A_366 = tpu.memref_slice %arg4[%dma_start3A_361, %add3A_360, %dma_start3A_365] : memref<1x8192x1024xf32, #tpu.memory_space<hbm>> -> memref<1x16x1024xf32, #tpu.memory_space<hbm>>
    %dma_start3A_367 = tpu.memref_squeeze %dma_start3A_366 : memref<1x16x1024xf32, #tpu.memory_space<hbm>> -> memref<16x1024xf32, #tpu.memory_space<hbm>>
    tpu.enqueue_dma source(%arg7 : memref<16x1024xf32, #tpu.memory_space<vmem>>) target(%dma_start3A_367 : memref<16x1024xf32, #tpu.memory_space<hbm>>) target_semaphore(%arg21 : memref<!tpu.dma_semaphore, #tpu.memory_space<semaphore_mem>>)
    %dma_wait3A_368 = arith.constant 0 : i32
    %dma_wait3A_369 = arith.constant 0 : i32
    %dma_wait3A_370 = tpu.memref_slice %arg4[%dma_wait3A_368, %add3A_240, %dma_wait3A_369] : memref<1x8192x1024xf32, #tpu.memory_space<hbm>> -> memref<1x16x1024xf32, #tpu.memory_space<hbm>>
    %dma_wait3A_371 = tpu.memref_squeeze %dma_wait3A_370 : memref<1x16x1024xf32, #tpu.memory_space<hbm>> -> memref<16x1024xf32, #tpu.memory_space<hbm>>
    %dma_wait3A_372 = arith.constant 0 : i32
    %dma_wait3A_373 = tpu.memref_slice %arg4[%dma_wait3A_368, %add3A_240, %dma_wait3A_372] : memref<1x8192x1024xf32, #tpu.memory_space<hbm>> -> memref<1x16x1024xf32, #tpu.memory_space<hbm>>
    %dma_wait3A_374 = tpu.memref_squeeze %dma_wait3A_373 : memref<1x16x1024xf32, #tpu.memory_space<hbm>> -> memref<16x1024xf32, #tpu.memory_space<hbm>>
    tpu.wait_dma2 semaphore(%arg22 : memref<!tpu.dma_semaphore, #tpu.memory_space<semaphore_mem>>) src(%arg8 : memref<16x1024xf32, #tpu.memory_space<vmem>>) dst(%dma_wait3A_374 : memref<16x1024xf32, #tpu.memory_space<hbm>>)
    %dma_wait3A_375 = arith.constant 0 : i32
    %dma_wait3A_376 = arith.constant 0 : i32
    %dma_wait3A_377 = tpu.memref_slice %arg4[%dma_wait3A_375, %add3A_266, %dma_wait3A_376] : memref<1x8192x1024xf32, #tpu.memory_space<hbm>> -> memref<1x16x1024xf32, #tpu.memory_space<hbm>>
    %dma_wait3A_378 = tpu.memref_squeeze %dma_wait3A_377 : memref<1x16x1024xf32, #tpu.memory_space<hbm>> -> memref<16x1024xf32, #tpu.memory_space<hbm>>
    %dma_wait3A_379 = arith.constant 0 : i32
    %dma_wait3A_380 = tpu.memref_slice %arg4[%dma_wait3A_375, %add3A_266, %dma_wait3A_379] : memref<1x8192x1024xf32, #tpu.memory_space<hbm>> -> memref<1x16x1024xf32, #tpu.memory_space<hbm>>
    %dma_wait3A_381 = tpu.memref_squeeze %dma_wait3A_380 : memref<1x16x1024xf32, #tpu.memory_space<hbm>> -> memref<16x1024xf32, #tpu.memory_space<hbm>>
    tpu.wait_dma2 semaphore(%arg23 : memref<!tpu.dma_semaphore, #tpu.memory_space<semaphore_mem>>) src(%arg9 : memref<16x1024xf32, #tpu.memory_space<vmem>>) dst(%dma_wait3A_381 : memref<16x1024xf32, #tpu.memory_space<hbm>>)
    %dma_wait3A_382 = arith.constant 0 : i32
    %dma_wait3A_383 = arith.constant 0 : i32
    %dma_wait3A_384 = tpu.memref_slice %arg4[%dma_wait3A_382, %add3A_292, %dma_wait3A_383] : memref<1x8192x1024xf32, #tpu.memory_space<hbm>> -> memref<1x16x1024xf32, #tpu.memory_space<hbm>>
    %dma_wait3A_385 = tpu.memref_squeeze %dma_wait3A_384 : memref<1x16x1024xf32, #tpu.memory_space<hbm>> -> memref<16x1024xf32, #tpu.memory_space<hbm>>
    %dma_wait3A_386 = arith.constant 0 : i32
    %dma_wait3A_387 = tpu.memref_slice %arg4[%dma_wait3A_382, %add3A_292, %dma_wait3A_386] : memref<1x8192x1024xf32, #tpu.memory_space<hbm>> -> memref<1x16x1024xf32, #tpu.memory_space<hbm>>
    %dma_wait3A_388 = tpu.memref_squeeze %dma_wait3A_387 : memref<1x16x1024xf32, #tpu.memory_space<hbm>> -> memref<16x1024xf32, #tpu.memory_space<hbm>>
    tpu.wait_dma2 semaphore(%arg24 : memref<!tpu.dma_semaphore, #tpu.memory_space<semaphore_mem>>) src(%arg10 : memref<16x1024xf32, #tpu.memory_space<vmem>>) dst(%dma_wait3A_388 : memref<16x1024xf32, #tpu.memory_space<hbm>>)
    %dma_wait3A_389 = arith.constant 0 : i32
    %dma_wait3A_390 = arith.constant 0 : i32
    %dma_wait3A_391 = tpu.memref_slice %arg4[%dma_wait3A_389, %add3A_318, %dma_wait3A_390] : memref<1x8192x1024xf32, #tpu.memory_space<hbm>> -> memref<1x16x1024xf32, #tpu.memory_space<hbm>>
    %dma_wait3A_392 = tpu.memref_squeeze %dma_wait3A_391 : memref<1x16x1024xf32, #tpu.memory_space<hbm>> -> memref<16x1024xf32, #tpu.memory_space<hbm>>
    %dma_wait3A_393 = arith.constant 0 : i32
    %dma_wait3A_394 = tpu.memref_slice %arg4[%dma_wait3A_389, %add3A_318, %dma_wait3A_393] : memref<1x8192x1024xf32, #tpu.memory_space<hbm>> -> memref<1x16x1024xf32, #tpu.memory_space<hbm>>
    %dma_wait3A_395 = tpu.memref_squeeze %dma_wait3A_394 : memref<1x16x1024xf32, #tpu.memory_space<hbm>> -> memref<16x1024xf32, #tpu.memory_space<hbm>>
    tpu.wait_dma2 semaphore(%arg25 : memref<!tpu.dma_semaphore, #tpu.memory_space<semaphore_mem>>) src(%arg11 : memref<16x1024xf32, #tpu.memory_space<vmem>>) dst(%dma_wait3A_395 : memref<16x1024xf32, #tpu.memory_space<hbm>>)
    %dma_wait3A_396 = arith.constant 0 : i32
    %dma_wait3A_397 = arith.constant 0 : i32
    %dma_wait3A_398 = tpu.memref_slice %arg4[%dma_wait3A_396, %add3A_332, %dma_wait3A_397] : memref<1x8192x1024xf32, #tpu.memory_space<hbm>> -> memref<1x16x1024xf32, #tpu.memory_space<hbm>>
    %dma_wait3A_399 = tpu.memref_squeeze %dma_wait3A_398 : memref<1x16x1024xf32, #tpu.memory_space<hbm>> -> memref<16x1024xf32, #tpu.memory_space<hbm>>
    %dma_wait3A_400 = arith.constant 0 : i32
    %dma_wait3A_401 = tpu.memref_slice %arg4[%dma_wait3A_396, %add3A_332, %dma_wait3A_400] : memref<1x8192x1024xf32, #tpu.memory_space<hbm>> -> memref<1x16x1024xf32, #tpu.memory_space<hbm>>
    %dma_wait3A_402 = tpu.memref_squeeze %dma_wait3A_401 : memref<1x16x1024xf32, #tpu.memory_space<hbm>> -> memref<16x1024xf32, #tpu.memory_space<hbm>>
    tpu.wait_dma2 semaphore(%arg26 : memref<!tpu.dma_semaphore, #tpu.memory_space<semaphore_mem>>) src(%arg12 : memref<16x1024xf32, #tpu.memory_space<vmem>>) dst(%dma_wait3A_402 : memref<16x1024xf32, #tpu.memory_space<hbm>>)
    %dma_wait3A_403 = arith.constant 0 : i32
    %dma_wait3A_404 = arith.constant 0 : i32
    %dma_wait3A_405 = tpu.memref_slice %arg4[%dma_wait3A_403, %add3A_346, %dma_wait3A_404] : memref<1x8192x1024xf32, #tpu.memory_space<hbm>> -> memref<1x16x1024xf32, #tpu.memory_space<hbm>>
    %dma_wait3A_406 = tpu.memref_squeeze %dma_wait3A_405 : memref<1x16x1024xf32, #tpu.memory_space<hbm>> -> memref<16x1024xf32, #tpu.memory_space<hbm>>
    %dma_wait3A_407 = arith.constant 0 : i32
    %dma_wait3A_408 = tpu.memref_slice %arg4[%dma_wait3A_403, %add3A_346, %dma_wait3A_407] : memref<1x8192x1024xf32, #tpu.memory_space<hbm>> -> memref<1x16x1024xf32, #tpu.memory_space<hbm>>
    %dma_wait3A_409 = tpu.memref_squeeze %dma_wait3A_408 : memref<1x16x1024xf32, #tpu.memory_space<hbm>> -> memref<16x1024xf32, #tpu.memory_space<hbm>>
    tpu.wait_dma2 semaphore(%arg20 : memref<!tpu.dma_semaphore, #tpu.memory_space<semaphore_mem>>) src(%arg6 : memref<16x1024xf32, #tpu.memory_space<vmem>>) dst(%dma_wait3A_409 : memref<16x1024xf32, #tpu.memory_space<hbm>>)
    %dma_wait3A_410 = arith.constant 0 : i32
    %dma_wait3A_411 = arith.constant 0 : i32
    %dma_wait3A_412 = tpu.memref_slice %arg4[%dma_wait3A_410, %add3A_360, %dma_wait3A_411] : memref<1x8192x1024xf32, #tpu.memory_space<hbm>> -> memref<1x16x1024xf32, #tpu.memory_space<hbm>>
    %dma_wait3A_413 = tpu.memref_squeeze %dma_wait3A_412 : memref<1x16x1024xf32, #tpu.memory_space<hbm>> -> memref<16x1024xf32, #tpu.memory_space<hbm>>
    %dma_wait3A_414 = arith.constant 0 : i32
    %dma_wait3A_415 = tpu.memref_slice %arg4[%dma_wait3A_410, %add3A_360, %dma_wait3A_414] : memref<1x8192x1024xf32, #tpu.memory_space<hbm>> -> memref<1x16x1024xf32, #tpu.memory_space<hbm>>
    %dma_wait3A_416 = tpu.memref_squeeze %dma_wait3A_415 : memref<1x16x1024xf32, #tpu.memory_space<hbm>> -> memref<16x1024xf32, #tpu.memory_space<hbm>>
    tpu.wait_dma2 semaphore(%arg21 : memref<!tpu.dma_semaphore, #tpu.memory_space<semaphore_mem>>) src(%arg7 : memref<16x1024xf32, #tpu.memory_space<vmem>>) dst(%dma_wait3A_416 : memref<16x1024xf32, #tpu.memory_space<hbm>>)
    return
  }
}

</mosaic_0001>

<sc_bundles>
// kernel: kernel.3.cloned.1.call-start
scs
__scs_entry_jumppad:
0x0: {  	(pc) =	sbr.rel $0x88, $3  }
0x1: {  	(tag) =	ssettag $0x0;
	lr =	simm.s32 $0x1  }
0x2: {  	[smem:$0x3F9F] =	sst lr;
	_ =	strace $0xD0000000  }
0x3: {  	_ = 	snop  }
0x4: {  	_ = 	snop  }
0x5: {  	_ = 	snop  }
0x6: {  	_ = 	snop  }
0x7: {  	_ = 	snop  }
__scs_overlays_trampoline_lowered:
0x8: {  	[smem:$0x3FAE] =	sst s0  }
0x9: {  	[smem:$0x3FAF] =	sst s1  }
0xa: {  	[smem:$0x3FB0] =	sst s2  }
0xb: {  	[smem:$0x3FB1] =	sst s3  }
0xc: {  	[smem:$0x3FB2] =	sst s4  }
0xd: {  	[smem:$0x3FB3] =	sst s5  }
0xe: {  	[smem:$0x3FB4] =	sst s6  }
0xf: {  	[smem:$0x3FB5] =	sst s7  }
0x10: {  	[smem:$0x3FB6] =	sst s8  }
0x11: {  	[smem:$0x3FB7] =	sst s9;
	s0 =	simm.s32 @!p0 $0x0  }
0x12: {  	s1 =	sld [smem:$0x3F9D];
	s0 =	simm.s32 @p0 $0x1  }
0x13: {  	[smem:$0x3FB8] =	sst s0;
	s0 =	simm.s32 @!p1 $0x0  }
0x14: {  	s2 =	sld [smem:$0x3F9C];
	s0 =	simm.s32 @p1 $0x1  }
0x15: {  	[smem:$0x3FB9] =	sst s0;
	s0 =	simm.s32 @!p2 $0x0  }
0x16: {  	s3 =	sld [smem:$0x3FDB];
	s0 =	simm.s32 @p2 $0x1  }
0x17: {  	s4 =	simm.s32 $0x1BF5;
	[smem:$0x3FBB] =	sst s0  }
0x18: {  	s0 =	sld [smem:$0x3F9E];
	_ =	swait.ge [sflag:s4], $0x0  }
0x19: {  	s7 =	sld [smem:$0x3F9F]  }
0x1a: {  	s8 =	sadd.s32 $0xFFFFE003, lr  }
0x1b: {  	s9 =	sadd.s32 $0xFFFFFEF7, lr;
	s5 =	simm.s32 $0xFFFFFFFF;
	p2 =	slt.u32 s8, $0xFFFFF086  }
0x1c: {  	p1 =	slt.u32 s9, $0xF7A;
	s5 =	simm.s32 @!p2 $0x0  }
0x1d: {  	s5 =	simm.s32 @p1 $0x1;
	p0 =	seq.s32 s7, s2  }
0x1e: {  	s7 =	smul.u32 @!p0 $0xF7A, s2;
	p2 =	seq.s32 @!p0 s5, $0x0  }
0x1f: {  	s9 =	smul.u32 $0xF7A, s1;
	s8 =	simm.s32 @!p0 $0x1BF5;
	p2 =	por !p2, p0  }
0x20: {  	[sflag:s8] =	ssyncset.s32 @!p0 $0xFFFFF086;
	s6 =	sadd.s32 @!p0 s3, s7;
	s7 =	simm.s32 @!p0 $0x108  }
0x21: {  	s3 =	sadd.s32 s3, s9;
	s6 =	sadd.s32 @!p0 $0x88, s6;
	s7 =	simm.s32 @p2 $0x1082  }
0x22: {  	[simem:s7], [sflag:s8] =	dma.local @!p0 [hbm:s6], $0xF7A  }
0x23: {  	s9 =	sor.u32 $0xD0000000, s2;
	s6 =	simm.s32 $0x108;
	_ =	swait.ge @!p0 [sflag:s8], $0x0  }
0x24: {  	s3 =	sadd.s32 $0x88, s3;
	s6 =	simm.s32 @!p1 $0x1082;
	[sflag:s4] =	ssyncset.s32 $0xFFFFF086  }
0x25: {  	[simem:s6], [sflag:s4] =	dma.local [hbm:s3], $0xF7A  }
0x26: {  	[smem:$0x3F9F] =	sst s1;
	(tag) =	ssettag s2;
	_ =	strace s9  }
0x27: {  	s1 =	sld [smem:$0x3FAF]  }
0x28: {  	s2 =	sld [smem:$0x3FB0]  }
0x29: {  	s4 =	sld [smem:$0x3FB2]  }
0x2a: {  	p0 =	seq.s32 s5, $0x0;
	s5 =	sld [smem:$0x3FB3]  }
0x2b: {  	s6 =	sld [smem:$0x3FB4]  }
0x2c: {  	s7 =	sld [smem:$0x3FB5]  }
0x2d: {  	s3 =	simm.s32 $0x108;
	s8 =	sld [smem:$0x3FB6]  }
0x2e: {  	s3 =	simm.s32 @!p0 $0x1082;
	s9 =	sld [smem:$0x3FB7]  }
0x2f: {  	lr =	sadd.s32 s0, s3;
	s0 =	sld [smem:$0x3FAE]  }
0x30: {  	s3 =	sld [smem:$0x3FB1]  }
0x31: {  	[smem:$0x3FBA] =	sst s10  }
0x32: {  	s10 =	sld [smem:$0x3FB8];
	_ =	sdelay $0x3  }
0x33: {  	p0 =	seq.s32 s10, $0x1;
	s10 =	sld [smem:$0x3FBA];
	_ =	sdelay $0x3  }
0x34: {  	[smem:$0x3FBA] =	sst s10  }
0x35: {  	s10 =	sld [smem:$0x3FB9];
	_ =	sdelay $0x3  }
0x36: {  	p1 =	seq.s32 s10, $0x1;
	s10 =	sld [smem:$0x3FBA];
	_ =	sdelay $0x3  }
0x37: {  	[smem:$0x3FBA] =	sst s10  }
0x38: {  	s10 =	sld [smem:$0x3FBB]  }
0x39: {  	_ = 	snop;
	(pc) =	sbr.ind lr, $3  }
0x3a: {  	_ = 	snop  }
0x3b: {  	_ = 	snop  }
0x3c: {  	p2 =	seq.s32 s10, $0x1;
	s10 =	sld [smem:$0x3FBA]  }
0x3d: {  	_ =	shalt  }
0x3e: {  	_ =	shalt  }
0x3f: {  	_ =	shalt  }
0x40: {  	_ =	shalt  }
0x41: {  	_ =	shalt  }
0x42: {  	_ =	shalt  }
0x43: {  	_ =	shalt  }
0x44: {  	_ =	shalt  }
0x45: {  	_ =	shalt  }
0x46: {  	_ =	shalt  }
0x47: {  	_ =	shalt  }
0x48: {  	_ =	shalt  }
0x49: {  	_ =	shalt  }
0x4a: {  	_ =	shalt  }
0x4b: {  	_ =	shalt  }
0x4c: {  	_ =	shalt  }
0x4d: {  	_ =	shalt  }
0x4e: {  	_ =	shalt  }
0x4f: {  	_ =	shalt  }
0x50: {  	_ =	shalt  }
0x51: {  	_ =	shalt  }
0x52: {  	_ =	shalt  }
0x53: {  	_ =	shalt  }
0x54: {  	_ =	shalt  }
0x55: {  	_ =	shalt  }
0x56: {  	_ =	shalt  }
0x57: {  	_ =	shalt  }
0x58: {  	_ =	shalt  }
0x59: {  	_ =	shalt  }
0x5a: {  	_ =	shalt  }
0x5b: {  	_ =	shalt  }
0x5c: {  	_ =	shalt  }
0x5d: {  	_ =	shalt  }
0x5e: {  	_ =	shalt  }
0x5f: {  	_ =	shalt  }
0x60: {  	_ =	shalt  }
0x61: {  	_ =	shalt  }
0x62: {  	_ =	shalt  }
0x63: {  	_ =	shalt  }
0x64: {  	_ =	shalt  }
0x65: {  	_ =	shalt  }
0x66: {  	_ =	shalt  }
0x67: {  	_ =	shalt  }
0x68: {  	_ =	shalt  }
0x69: {  	_ =	shalt  }
0x6a: {  	_ =	shalt  }
0x6b: {  	_ =	shalt  }
0x6c: {  	_ =	shalt  }
0x6d: {  	_ =	shalt  }
0x6e: {  	_ =	shalt  }
0x6f: {  	_ =	shalt  }
0x70: {  	_ =	shalt  }
0x71: {  	_ =	shalt  }
0x72: {  	_ =	shalt  }
0x73: {  	_ =	shalt  }
0x74: {  	_ =	shalt  }
0x75: {  	_ =	shalt  }
0x76: {  	_ =	shalt  }
0x77: {  	_ =	shalt  }
0x78: {  	_ =	shalt  }
0x79: {  	_ =	shalt  }
0x7a: {  	_ =	shalt  }
0x7b: {  	_ =	shalt  }
0x7c: {  	_ =	shalt  }
0x7d: {  	_ =	shalt  }
0x7e: {  	_ =	shalt  }
0x7f: {  	_ =	shalt  }
0x80: {  	_ =	shalt  }
0x81: {  	_ =	shalt  }
0x82: {  	_ =	shalt  }
0x83: {  	_ =	shalt  }
0x84: {  	_ =	shalt  }
0x85: {  	_ =	shalt  }
0x86: {  	_ =	shalt  }
0x87: {  	_ =	shalt  }
.Lfunc_end0:
.L_simem_size_0:
called_computation_lowered:
.L_overlay_start_0:
0x88: {  	s2 =	sld [smem:$0x3FD9]  }
0x89: {  	s3 =	sld [smem:$0x3FFE];
	_ =	sdelay $0x1  }
0x8a: {  	s1 =	srdreg.scid  }
0x8b: {  	s0 =	sand.u32 $0x1, s1  }
0x8c: {  	s18 =	sshll.u32 s0, $0xA;
	s2 =	sadd.s32 s3, s2  }
0x8d: {  	s2 =	sadd.s32 s2, s18  }
0x8e: {  	[smem:$0x3FC6] =	sst s2  }
0x8f: {  	_ = 	snop  }
0x90: {  	s2 =	sld [smem:$0x3FC9]  }
0x91: {  	s19 =	sld [smem:$0x3FC8]  }
0x92: {  	s4 =	sld [smem:$0x3FD0];
	(tm) =	ssettm $0x1  }
0x93: {  	s5 =	sld [smem:$0x3FFB];
	_ =	sdelay $0x3  }
0x94: {  	_ =	strace s5  }
0x95: {  	s5 =	sld [smem:$0x3FFC];
	_ =	sdelay $0x3  }
0x96: {  	_ =	strace s5  }
0x97: {  	s5 =	sld [smem:$0x3FFD];
	_ =	sdelay $0x3  }
0x98: {  	_ =	strace s5  }
0x99: {  	_ =	strace $0x8FFFFFFF  }
0x9a: {  	s20 =	sld [smem:$0x3FDB];
	_ =	sdelay $0x1  }
0x9b: {  	s6 =	simm.s32 $_scs_section_size  }
0x9c: {  	s7 =	simm.s32 $_size__tile_overlayer_lowered;
	s8 =	simm.s32 $_tile_overlayer_lowered  }
0x9d: {  	s23 =	simm.s32 $0x1BFF;
	s22 =	sshll.u32 s8, $0x1;
	s5 =	sadd.s32 s6, s20  }
0x9e: {  	s9 =	simm.s32 $0x0;
	s21 =	sshll.u32 s7, $0x1;
	s7 =	sadd.s32 s22, s5  }
0x9f: {  	[timem:s9], [sflag:s23] =	dma.local [hbm:s7], s21  }
0xa0: {  	_ =	swait.ge [sflag:s23], s21  }
0xa1: {  	s6 =	ssub.s32 $0x0, s21;
	[sflag:s23] =	ssyncset.done $0x0  }
0xa2: {  	[sflag:s23] =	ssyncadd.s32 s6;
	_ =	sdelay $0x1  }
0xa3: {  	s24 =	simm.s32 $0x1B8B  }
0xa4: {  	_ =	swait.ge [sflag:s24], $0x1  }
0xa5: {  	[sflag:s24] =	ssyncset.done $0x0  }
0xa6: {  	s25 =	simm.s32 $0x1B8E;
	[sflag:s24] =	ssyncadd.s32 $0xFFFFFFFF  }
0xa7: {  	s26 =	simm.s32 $execute0_lowered;
	[smem:$0x3FD2] =	sst s25  }
0xa8: {  	s6 =	sshll.u32 s26, $0x1;
	_ =	strace $0x80000046;
	[dreg:$0x1] =	wrdreg $0xFFFFFFFF  }
0xa9: {  	s28 =	simm.s32 $_size_execute0_lowered;
	s5 =	sadd.s32 s5, s6;
	[dreg:$0x0] =	wrdreg $0x0  }
0xaa: {  	s6 =	sshll.u32 s28, $0x1;
	[dreg:$0x2] =	wrdreg s5  }
0xab: {  	[dreg:$0x3] =	wrdreg s6  }
0xac: {  	[dreg:$0x4] =	wrdreg $0xC0  }
0xad: {  	_ =	task [dreg:s9], $0x5FFFF  }
0xae: {  	[dreg:$0x1] =	wrdreg $0xFFFFFFFF  }
0xaf: {  	[dreg:$0x0] =	wrdreg $0x60  }
0xb0: {  	[dreg:$0x2] =	wrdreg s2  }
0xb1: {  	[dreg:$0x3] =	wrdreg s19  }
0xb2: {  	[dreg:$0x4] =	wrdreg s4  }
0xb3: {  	[dreg:$0x5] =	wrdreg $0x9  }
0xb4: {  	_ =	task.clear_ibuf [dreg:s9], $0x6FFFF;
	_ =	strace $0x90000046  }
0xb5: {  	s29 =	simm.s32 $0x9;
	_ =	strace $0x80000048  }
0xb6: {  	_ =	swait.ge [sflag:s29], $0x1  }
0xb7: {  	[sflag:s29] =	ssyncadd.s32 $0xFFFFFFFF  }
0xb8: {  	_ =	strace $0x90000048  }
0xb9: {  	_ =	sfence  }
0xba: {  	s30 =	sld [smem:$0x0];
	_ =	sdelay $0x2  }
0xbb: {  	s31 =	sshll.u32 s1, $0xD;
	s1 =	sshrl.u32 s1, $0x2  }
0xbc: {  	s3 =	sand.u32 $0x4000, s31;
	s1 =	sadd.s32 s1, s30  }
0xbd: {  	s0 =	sor.u32 s3, s0;
	s1 =	sshll.u32 s1, $0x11  }
0xbe: {  	s0 =	sor.u32 s1, s0  }
0xbf: {  	s0 =	sadd.s32 $0x8F2B, s0  }
0xc0: {  	[sflag:s0] =	ssyncadd.remote.s32 $0x1  }
0xc1: {  	_ =	sfence.sel $0xFFFF  }
0xc2: {  	[dreg:$0x0] =	wrdreg $0xFFFFFFFF;
	(pc) =	sbr.abs _section_cstart, $3  }
0xc3: {  	[dreg:$0x1] =	wrdreg $0xFFFFFFFF  }
0xc4: {  	_ =	task.clear_ibuf [dreg:s9], $0x2FFFF;
	_ =	strace $0x9FFFFFFF  }
0xc5: {  	(tm) =	ssettm $0x7FFFFFFF  }
tec
execute0_lowered:
.L_overlay_start_1:
0x0: {  	(tag) =	ssettag $0x1  }
0x1: {  	s0 =	srdreg.scid  }
0x2: {  	s3 =	stileid.u32;
	s0 =	sand.u32 $0x1, s0  }
0x3: {  	s1 =	rddreg [dreg:$0x0];
	s5 =	sshll.u32 s3, $0x9;
	s6 =	sshll.u32 s0, $0x8  }
0x4: {  	s2 =	rddreg [dreg:$0x1];
	s5 =	sor.u32 s6, s5  }
0x5: {  	s4 =	rddreg [dreg:$0x2];
	s3 =	simm.s32 $0x0;
	s6 =	sshrl.u32 s5, $0x3  }
0x6: {  	[smem:$0x7FF] =	sst s3;
	s5 =	sshll.u32 s5, $0x7;
	s2 =	sadd.s32 s2, s6  }
0x7: {  	_ =	strace $0x80000047;
	s10 =	sadd.s32 s4, s5;
	[dreg:$0x4] =	wrdreg s2  }
0x8: {  	s11 =	sadd.s32 $0x800, s10;
	[dreg:$0x14] =	wrdreg s10  }
0x9: {  	s12 =	sadd.s32 $0x1000, s10;
	[dreg:$0x5] =	wrdreg s11  }
0xa: {  	s13 =	sadd.s32 $0x1800, s10;
	[dreg:$0x6] =	wrdreg s12  }
0xb: {  	s14 =	sadd.s32 $0x2000, s10;
	[dreg:$0x7] =	wrdreg s13  }
0xc: {  	s15 =	sadd.s32 $0x2800, s10;
	[dreg:$0x8] =	wrdreg s14  }
0xd: {  	s30 =	simm.s32 $0x2;
	s16 =	sadd.s32 $0x3000, s10;
	[dreg:$0x9] =	wrdreg s15  }
0xe: {  	s28 =	simm.s32 $0x4100;
	s17 =	sadd.s32 $0x3800, s10;
	[dreg:$0xa] =	wrdreg s16  }
0xf: {  	s29 =	simm.s32 $0xB900;
	s18 =	sadd.s32 $0x4000, s10;
	[dreg:$0xb] =	wrdreg s17  }
0x10: {  	s31 =	simm.s32 $0xC100;
	s19 =	sadd.s32 $0x4800, s10;
	[dreg:$0xc] =	wrdreg s18  }
0x11: {  	s9 =	simm.s32 $0x18100;
	s20 =	sadd.s32 $0x5000, s10;
	[dreg:$0xd] =	wrdreg s19  }
0x12: {  	s7 =	sadd.s32 $0x300, s1;
	s21 =	sadd.s32 $0x5800, s10;
	[dreg:$0xe] =	wrdreg s20  }
0x13: {  	s0 =	ssub.s32 $0x2, s0;
	s22 =	sadd.s32 $0x6000, s10;
	[dreg:$0xf] =	wrdreg s21  }
0x14: {  	s23 =	sshrl.u32 s0, $0x1;
	s24 =	sadd.s32 $0x6800, s10;
	[dreg:$0x10] =	wrdreg s22  }
0x15: {  	s0 =	ssub.s32 s0, s23;
	s25 =	sadd.s32 $0x7000, s10;
	[dreg:$0x11] =	wrdreg s24  }
0x16: {  	s5 =	sadd.s32 $0x100, s1;
	s26 =	sadd.s32 $0x7800, s10;
	[dreg:$0x12] =	wrdreg s25  }
0x17: {  	s6 =	sadd.s32 $0x200, s1;
	s8 =	smax.u32 s0, $0x1;
	[dreg:$0x13] =	wrdreg s26  }
0x18: {  	v2 =	vlaneseq.u32;
	s19 =	simm.s32 $0x1;
	s11 =	simm.s32 $0x8;
	s13 =	simm.s32 $0x9  }
0x19: {  	vm0 =	vmmov $0xffff;
	v1 =	vshrl.u32 v2, $0x3;
	s18 =	simm.s32 $0x100;
	s24 =	simm.s32 $0xA100;
	s25 =	simm.s32 $0xA900  }
0x1a: {  	v0 =	vand.u32 $0x7, v2;
	v2 =	vor.u32 $0x8, v2;
	v1 =	vmul.u32 $0x8, v1;
	s26 =	simm.s32 $0xB100;
	s20 =	simm.s32 $0x10100;
	s12 =	simm.s32 $0x14100  }
.LBB2_1:
0x1b: {  	s22 =	rddreg [dreg:$0x4];
	s14 =	simm.s32 $0xF  }
0x1c: {  	[tilespmem:s3], [sflag:$0xF] =	stream.linear.gather [hbm4b:s22+s3], $0x100, $0x38;
	[tilespmem:$0x1C100] =	vst v63  }
0x1d: {  	_ =	swait.ge [sflag:s14], $0x100  }
0x1e: {  	[sflag:s14] =	ssyncset.done $0x0  }
0x1f: {  	[sflag:s14] =	ssyncadd.s32 $0xFFFFFF00  }
0x20: {  	v3 =	vld [tilespmem:$0x0];
	_ =	sdelay $0x4  }
0x21: {  	v4 =	vshll.u32 v3, $0x3  }
0x22: {  	v3 =	vand.u32 $0x7, v3;
	v4 =	vand.u32 $0xFFFFFFC0, v4  }
0x23: {  	v3 =	vor.u32 v3, v4  }
0x24: {  	v4 =	vperm.xlane v3, v0;
	_ =	sdelay $0x1  }
0x25: {  	v4 =	vadd.s32 v1, v4;
	_ =	sdelay $0x4  }
0x26: {  	[tilespmem:s18], [sflag:$0x1] =	stream.indirect_vreg.gather [hbm4b:s1+s3], $0x80, v4, vm0, $0xb8;
	[tilespmem:$0x1C100] =	vst v63  }
0x27: {  	s0 =	simm.s32 $0x900;
	v3 =	vperm.xlane v3, v2  }
0x28: {  	[tilespmem:s0], [sflag:$0x1] =	stream.indirect_vreg.gather [hbm4b:s5+s3], $0x80, v4, vm0, $0xb8;
	[tilespmem:$0x1C100] =	vst v63  }
0x29: {  	s15 =	simm.s32 $0x1100;
	v3 =	vadd.s32 v1, v3  }
0x2a: {  	[tilespmem:s15], [sflag:$0x1] =	stream.indirect_vreg.gather [hbm4b:s6+s3], $0x80, v4, vm0, $0xb8;
	[tilespmem:$0x1C100] =	vst v63  }
0x2b: {  	s16 =	simm.s32 $0x1900  }
0x2c: {  	[tilespmem:s16], [sflag:$0x1] =	stream.indirect_vreg.gather [hbm4b:s7+s3], $0x80, v4, vm0, $0xb8;
	[tilespmem:$0x1C100] =	vst v63  }
0x2d: {  	s17 =	simm.s32 $0x2100  }
0x2e: {  	[tilespmem:s17], [sflag:$0x1] =	stream.indirect_vreg.gather [hbm4b:s1+s3], $0x80, v3, vm0, $0xb8;
	[tilespmem:$0x1C100] =	vst v63  }
0x2f: {  	s21 =	simm.s32 $0x2900  }
0x30: {  	[tilespmem:s21], [sflag:$0x1] =	stream.indirect_vreg.gather [hbm4b:s5+s3], $0x80, v3, vm0, $0xb8;
	[tilespmem:$0x1C100] =	vst v63  }
0x31: {  	s22 =	simm.s32 $0x3100  }
0x32: {  	[tilespmem:s22], [sflag:$0x1] =	stream.indirect_vreg.gather [hbm4b:s6+s3], $0x80, v3, vm0, $0xb8;
	[tilespmem:$0x1C100] =	vst v63  }
0x33: {  	s23 =	simm.s32 $0x3900  }
0x34: {  	[tilespmem:s23], [sflag:$0x1] =	stream.indirect_vreg.gather [hbm4b:s7+s3], $0x80, v3, vm0, $0xb8;
	[tilespmem:$0x1C100] =	vst v63  }
0x35: {  	v3 =	vld [tilespmem:$0x10];
	_ =	sdelay $0x4  }
0x36: {  	v49 =	vshll.u32 v3, $0x3  }
0x37: {  	v3 =	vand.u32 $0x7, v3;
	v4 =	vand.u32 $0xFFFFFFC0, v49  }
0x38: {  	v3 =	vor.u32 v3, v4  }
0x39: {  	v4 =	vperm.xlane v3, v0;
	_ =	sdelay $0x1  }
0x3a: {  	v4 =	vadd.s32 v1, v4;
	_ =	sdelay $0x4  }
0x3b: {  	[tilespmem:s28], [sflag:$0x2] =	stream.indirect_vreg.gather [hbm4b:s1+s3], $0x80, v4, vm0, $0xb8;
	[tilespmem:$0x1C100] =	vst v63  }
0x3c: {  	s2 =	simm.s32 $0x4900;
	v3 =	vperm.xlane v3, v2  }
0x3d: {  	[tilespmem:s2], [sflag:$0x2] =	stream.indirect_vreg.gather [hbm4b:s5+s3], $0x80, v4, vm0, $0xb8;
	[tilespmem:$0x1C100] =	vst v63  }
0x3e: {  	s10 =	simm.s32 $0x5100;
	v3 =	vadd.s32 v1, v3  }
0x3f: {  	[tilespmem:s10], [sflag:$0x2] =	stream.indirect_vreg.gather [hbm4b:s6+s3], $0x80, v4, vm0, $0xb8;
	[tilespmem:$0x1C100] =	vst v63  }
0x40: {  	s14 =	simm.s32 $0x5900  }
0x41: {  	[tilespmem:s14], [sflag:$0x2] =	stream.indirect_vreg.gather [hbm4b:s7+s3], $0x80, v4, vm0, $0xb8;
	[tilespmem:$0x1C100] =	vst v63  }
0x42: {  	s16 =	simm.s32 $0x6100  }
0x43: {  	[tilespmem:s16], [sflag:$0x2] =	stream.indirect_vreg.gather [hbm4b:s1+s3], $0x80, v3, vm0, $0xb8;
	[tilespmem:$0x1C100] =	vst v63  }
0x44: {  	s21 =	simm.s32 $0x6900  }
0x45: {  	[tilespmem:s21], [sflag:$0x2] =	stream.indirect_vreg.gather [hbm4b:s5+s3], $0x80, v3, vm0, $0xb8;
	[tilespmem:$0x1C100] =	vst v63  }
0x46: {  	s22 =	simm.s32 $0x7100  }
0x47: {  	[tilespmem:s22], [sflag:$0x2] =	stream.indirect_vreg.gather [hbm4b:s6+s3], $0x80, v3, vm0, $0xb8;
	[tilespmem:$0x1C100] =	vst v63  }
0x48: {  	s23 =	simm.s32 $0x7900  }
0x49: {  	[tilespmem:s23], [sflag:$0x2] =	stream.indirect_vreg.gather [hbm4b:s7+s3], $0x80, v3, vm0, $0xb8;
	[tilespmem:$0x1C100] =	vst v63  }
0x4a: {  	v3 =	vld [tilespmem:$0x20];
	_ =	sdelay $0x4  }
0x4b: {  	v50 =	vshll.u32 v3, $0x3  }
0x4c: {  	v3 =	vand.u32 $0x7, v3;
	v4 =	vand.u32 $0xFFFFFFC0, v50  }
0x4d: {  	v3 =	vor.u32 v3, v4  }
0x4e: {  	v4 =	vperm.xlane v3, v0;
	_ =	sdelay $0x1  }
0x4f: {  	v4 =	vadd.s32 v1, v4;
	_ =	sdelay $0x3  }
0x50: {  	s10 =	simm.s32 $0x8100  }
0x51: {  	[tilespmem:s10], [sflag:$0x3] =	stream.indirect_vreg.gather [hbm4b:s1+s3], $0x80, v4, vm0, $0xb8;
	[tilespmem:$0x1C100] =	vst v63  }
0x52: {  	s16 =	simm.s32 $0x8900;
	v3 =	vperm.xlane v3, v2  }
0x53: {  	[tilespmem:s16], [sflag:$0x3] =	stream.indirect_vreg.gather [hbm4b:s5+s3], $0x80, v4, vm0, $0xb8;
	[tilespmem:$0x1C100] =	vst v63  }
0x54: {  	s14 =	simm.s32 $0x9100;
	v3 =	vadd.s32 v1, v3  }
0x55: {  	[tilespmem:s14], [sflag:$0x3] =	stream.indirect_vreg.gather [hbm4b:s6+s3], $0x80, v4, vm0, $0xb8;
	[tilespmem:$0x1C100] =	vst v63  }
0x56: {  	s23 =	simm.s32 $0x9900  }
0x57: {  	[tilespmem:s23], [sflag:$0x3] =	stream.indirect_vreg.gather [hbm4b:s7+s3], $0x80, v4, vm0, $0xb8;
	[tilespmem:$0x1C100] =	vst v63  }
0x58: {  	_ = 	snop  }
0x59: {  	[tilespmem:s24], [sflag:$0x3] =	stream.indirect_vreg.gather [hbm4b:s1+s3], $0x80, v3, vm0, $0xb8;
	[tilespmem:$0x1C100] =	vst v63  }
0x5a: {  	_ = 	snop  }
0x5b: {  	[tilespmem:s25], [sflag:$0x3] =	stream.indirect_vreg.gather [hbm4b:s5+s3], $0x80, v3, vm0, $0xb8;
	[tilespmem:$0x1C100] =	vst v63  }
0x5c: {  	_ = 	snop  }
0x5d: {  	[tilespmem:s26], [sflag:$0x3] =	stream.indirect_vreg.gather [hbm4b:s6+s3], $0x80, v3, vm0, $0xb8;
	[tilespmem:$0x1C100] =	vst v63  }
0x5e: {  	_ = 	snop  }
0x5f: {  	[tilespmem:s29], [sflag:$0x3] =	stream.indirect_vreg.gather [hbm4b:s7+s3], $0x80, v3, vm0, $0xb8;
	[tilespmem:$0x1C100] =	vst v63  }
0x60: {  	v3 =	vld [tilespmem:$0x30];
	_ =	sdelay $0x4  }
0x61: {  	v51 =	vshll.u32 v3, $0x3  }
0x62: {  	v3 =	vand.u32 $0x7, v3;
	v4 =	vand.u32 $0xFFFFFFC0, v51  }
0x63: {  	v3 =	vor.u32 v3, v4  }
0x64: {  	v4 =	vperm.xlane v3, v0;
	_ =	sdelay $0x1  }
0x65: {  	v4 =	vadd.s32 v1, v4;
	_ =	sdelay $0x4  }
0x66: {  	[tilespmem:s31], [sflag:$0x4] =	stream.indirect_vreg.gather [hbm4b:s1+s3], $0x80, v4, vm0, $0xb8;
	[tilespmem:$0x1C100] =	vst v63  }
0x67: {  	s21 =	simm.s32 $0xC900;
	v3 =	vperm.xlane v3, v2  }
0x68: {  	[tilespmem:s21], [sflag:$0x4] =	stream.indirect_vreg.gather [hbm4b:s5+s3], $0x80, v4, vm0, $0xb8;
	[tilespmem:$0x1C100] =	vst v63  }
0x69: {  	s2 =	simm.s32 $0xD100;
	v3 =	vadd.s32 v1, v3  }
0x6a: {  	[tilespmem:s2], [sflag:$0x4] =	stream.indirect_vreg.gather [hbm4b:s6+s3], $0x80, v4, vm0, $0xb8;
	[tilespmem:$0x1C100] =	vst v63  }
0x6b: {  	s22 =	simm.s32 $0xD900  }
0x6c: {  	[tilespmem:s22], [sflag:$0x4] =	stream.indirect_vreg.gather [hbm4b:s7+s3], $0x80, v4, vm0, $0xb8;
	[tilespmem:$0x1C100] =	vst v63  }
0x6d: {  	s2 =	simm.s32 $0xE100  }
0x6e: {  	[tilespmem:s2], [sflag:$0x4] =	stream.indirect_vreg.gather [hbm4b:s1+s3], $0x80, v3, vm0, $0xb8;
	[tilespmem:$0x1C100] =	vst v63  }
0x6f: {  	s22 =	simm.s32 $0xE900  }
0x70: {  	[tilespmem:s22], [sflag:$0x4] =	stream.indirect_vreg.gather [hbm4b:s5+s3], $0x80, v3, vm0, $0xb8;
	[tilespmem:$0x1C100] =	vst v63  }
0x71: {  	s2 =	simm.s32 $0xF100  }
0x72: {  	[tilespmem:s2], [sflag:$0x4] =	stream.indirect_vreg.gather [hbm4b:s6+s3], $0x80, v3, vm0, $0xb8;
	[tilespmem:$0x1C100] =	vst v63  }
0x73: {  	s22 =	simm.s32 $0xF900  }
0x74: {  	[tilespmem:s22], [sflag:$0x4] =	stream.indirect_vreg.gather [hbm4b:s7+s3], $0x80, v3, vm0, $0xb8;
	[tilespmem:$0x1C100] =	vst v63  }
0x75: {  	_ =	swait.ge [sflag:s19], $0x4000  }
0x76: {  	[sflag:s19] =	ssyncset.done $0x0  }
0x77: {  	s2 =	rddreg [dreg:$0x14];
	[sflag:s19] =	ssyncadd.s32 $0xFFFFC000  }
0x78: {  	[hbm4b:s2+s3] =	stream.linear.scatter [tilespmem:s18], [sflag:$0x8], $0x4000, $0x38;
	[tilespmem:$0x1C100] =	vst v63  }
0x79: {  	v3 =	vld [tilespmem:$0x40];
	_ =	sdelay $0x4  }
0x7a: {  	v52 =	vshll.u32 v3, $0x3  }
0x7b: {  	v3 =	vand.u32 $0x7, v3;
	v4 =	vand.u32 $0xFFFFFFC0, v52  }
0x7c: {  	v3 =	vor.u32 v3, v4  }
0x7d: {  	v4 =	vperm.xlane v3, v0;
	_ =	sdelay $0x1  }
0x7e: {  	v4 =	vadd.s32 v1, v4;
	_ =	sdelay $0x4  }
0x7f: {  	[tilespmem:s20], [sflag:$0x5] =	stream.indirect_vreg.gather [hbm4b:s1+s3], $0x80, v4, vm0, $0xb8;
	[tilespmem:$0x1C100] =	vst v63  }
0x80: {  	s22 =	simm.s32 $0x10900;
	v3 =	vperm.xlane v3, v2  }
0x81: {  	[tilespmem:s22], [sflag:$0x5] =	stream.indirect_vreg.gather [hbm4b:s5+s3], $0x80, v4, vm0, $0xb8;
	[tilespmem:$0x1C100] =	vst v63  }
0x82: {  	s2 =	simm.s32 $0x11100;
	v3 =	vadd.s32 v1, v3  }
0x83: {  	[tilespmem:s2], [sflag:$0x5] =	stream.indirect_vreg.gather [hbm4b:s6+s3], $0x80, v4, vm0, $0xb8;
	[tilespmem:$0x1C100] =	vst v63  }
0x84: {  	s22 =	simm.s32 $0x11900  }
0x85: {  	[tilespmem:s22], [sflag:$0x5] =	stream.indirect_vreg.gather [hbm4b:s7+s3], $0x80, v4, vm0, $0xb8;
	[tilespmem:$0x1C100] =	vst v63  }
0x86: {  	s2 =	simm.s32 $0x12100  }
0x87: {  	[tilespmem:s2], [sflag:$0x5] =	stream.indirect_vreg.gather [hbm4b:s1+s3], $0x80, v3, vm0, $0xb8;
	[tilespmem:$0x1C100] =	vst v63  }
0x88: {  	s22 =	simm.s32 $0x12900  }
0x89: {  	[tilespmem:s22], [sflag:$0x5] =	stream.indirect_vreg.gather [hbm4b:s5+s3], $0x80, v3, vm0, $0xb8;
	[tilespmem:$0x1C100] =	vst v63  }
0x8a: {  	s2 =	simm.s32 $0x13100  }
0x8b: {  	[tilespmem:s2], [sflag:$0x5] =	stream.indirect_vreg.gather [hbm4b:s6+s3], $0x80, v3, vm0, $0xb8;
	[tilespmem:$0x1C100] =	vst v63  }
0x8c: {  	s22 =	simm.s32 $0x13900  }
0x8d: {  	[tilespmem:s22], [sflag:$0x5] =	stream.indirect_vreg.gather [hbm4b:s7+s3], $0x80, v3, vm0, $0xb8;
	[tilespmem:$0x1C100] =	vst v63  }
0x8e: {  	_ =	swait.ge [sflag:s30], $0x4000  }
0x8f: {  	[sflag:s30] =	ssyncset.done $0x0  }
0x90: {  	s2 =	rddreg [dreg:$0x5];
	[sflag:s30] =	ssyncadd.s32 $0xFFFFC000  }
0x91: {  	[hbm4b:s2+s3] =	stream.linear.scatter [tilespmem:s28], [sflag:$0x9], $0x4000, $0x38;
	[tilespmem:$0x1C100] =	vst v63  }
0x92: {  	v3 =	vld [tilespmem:$0x50];
	_ =	sdelay $0x4  }
0x93: {  	v53 =	vshll.u32 v3, $0x3  }
0x94: {  	v3 =	vand.u32 $0x7, v3;
	v4 =	vand.u32 $0xFFFFFFC0, v53  }
0x95: {  	v3 =	vor.u32 v3, v4  }
0x96: {  	v4 =	vperm.xlane v3, v0;
	_ =	sdelay $0x1  }
0x97: {  	v4 =	vadd.s32 v1, v4;
	_ =	sdelay $0x4  }
0x98: {  	[tilespmem:s12], [sflag:$0x6] =	stream.indirect_vreg.gather [hbm4b:s1+s3], $0x80, v4, vm0, $0xb8;
	[tilespmem:$0x1C100] =	vst v63  }
0x99: {  	s22 =	simm.s32 $0x14900;
	v3 =	vperm.xlane v3, v2  }
0x9a: {  	[tilespmem:s22], [sflag:$0x6] =	stream.indirect_vreg.gather [hbm4b:s5+s3], $0x80, v4, vm0, $0xb8;
	[tilespmem:$0x1C100] =	vst v63  }
0x9b: {  	s2 =	simm.s32 $0x15100;
	v3 =	vadd.s32 v1, v3  }
0x9c: {  	[tilespmem:s2], [sflag:$0x6] =	stream.indirect_vreg.gather [hbm4b:s6+s3], $0x80, v4, vm0, $0xb8;
	[tilespmem:$0x1C100] =	vst v63  }
0x9d: {  	s22 =	simm.s32 $0x15900  }
0x9e: {  	[tilespmem:s22], [sflag:$0x6] =	stream.indirect_vreg.gather [hbm4b:s7+s3], $0x80, v4, vm0, $0xb8;
	[tilespmem:$0x1C100] =	vst v63  }
0x9f: {  	s2 =	simm.s32 $0x16100  }
0xa0: {  	[tilespmem:s2], [sflag:$0x6] =	stream.indirect_vreg.gather [hbm4b:s1+s3], $0x80, v3, vm0, $0xb8;
	[tilespmem:$0x1C100] =	vst v63  }
0xa1: {  	s22 =	simm.s32 $0x16900  }
0xa2: {  	[tilespmem:s22], [sflag:$0x6] =	stream.indirect_vreg.gather [hbm4b:s5+s3], $0x80, v3, vm0, $0xb8;
	[tilespmem:$0x1C100] =	vst v63  }
0xa3: {  	s2 =	simm.s32 $0x17100  }
0xa4: {  	[tilespmem:s2], [sflag:$0x6] =	stream.indirect_vreg.gather [hbm4b:s6+s3], $0x80, v3, vm0, $0xb8;
	[tilespmem:$0x1C100] =	vst v63  }
0xa5: {  	s0 =	simm.s32 $0x3;
	s22 =	simm.s32 $0x17900  }
0xa6: {  	[tilespmem:s22], [sflag:$0x6] =	stream.indirect_vreg.gather [hbm4b:s7+s3], $0x80, v3, vm0, $0xb8;
	[tilespmem:$0x1C100] =	vst v63  }
0xa7: {  	_ =	swait.ge [sflag:s0], $0x4000  }
0xa8: {  	[sflag:s0] =	ssyncset.done $0x0  }
0xa9: {  	s2 =	rddreg [dreg:$0x6];
	[sflag:s0] =	ssyncadd.s32 $0xFFFFC000  }
0xaa: {  	[hbm4b:s2+s3] =	stream.linear.scatter [tilespmem:s10], [sflag:$0xA], $0x4000, $0x38;
	[tilespmem:$0x1C100] =	vst v63  }
0xab: {  	v3 =	vld [tilespmem:$0x60];
	_ =	sdelay $0x4  }
0xac: {  	v54 =	vshll.u32 v3, $0x3  }
0xad: {  	v3 =	vand.u32 $0x7, v3;
	v4 =	vand.u32 $0xFFFFFFC0, v54  }
0xae: {  	v3 =	vor.u32 v3, v4  }
0xaf: {  	v4 =	vperm.xlane v3, v0;
	_ =	sdelay $0x1  }
0xb0: {  	v4 =	vadd.s32 v1, v4;
	_ =	sdelay $0x4  }
0xb1: {  	[tilespmem:s9], [sflag:$0x7] =	stream.indirect_vreg.gather [hbm4b:s1+s3], $0x80, v4, vm0, $0xb8;
	[tilespmem:$0x1C100] =	vst v63  }
0xb2: {  	s2 =	simm.s32 $0x18900;
	v3 =	vperm.xlane v3, v2  }
0xb3: {  	[tilespmem:s2], [sflag:$0x7] =	stream.indirect_vreg.gather [hbm4b:s5+s3], $0x80, v4, vm0, $0xb8;
	[tilespmem:$0x1C100] =	vst v63  }
0xb4: {  	s22 =	simm.s32 $0x19100;
	v3 =	vadd.s32 v1, v3  }
0xb5: {  	[tilespmem:s22], [sflag:$0x7] =	stream.indirect_vreg.gather [hbm4b:s6+s3], $0x80, v4, vm0, $0xb8;
	[tilespmem:$0x1C100] =	vst v63  }
0xb6: {  	s22 =	simm.s32 $0x19900  }
0xb7: {  	[tilespmem:s22], [sflag:$0x7] =	stream.indirect_vreg.gather [hbm4b:s7+s3], $0x80, v4, vm0, $0xb8;
	[tilespmem:$0x1C100] =	vst v63  }
0xb8: {  	s22 =	simm.s32 $0x1A100  }
0xb9: {  	[tilespmem:s22], [sflag:$0x7] =	stream.indirect_vreg.gather [hbm4b:s1+s3], $0x80, v3, vm0, $0xb8;
	[tilespmem:$0x1C100] =	vst v63  }
0xba: {  	s22 =	simm.s32 $0x1A900  }
0xbb: {  	[tilespmem:s22], [sflag:$0x7] =	stream.indirect_vreg.gather [hbm4b:s5+s3], $0x80, v3, vm0, $0xb8;
	[tilespmem:$0x1C100] =	vst v63  }
0xbc: {  	s22 =	simm.s32 $0x1B100  }
0xbd: {  	[tilespmem:s22], [sflag:$0x7] =	stream.indirect_vreg.gather [hbm4b:s6+s3], $0x80, v3, vm0, $0xb8;
	[tilespmem:$0x1C100] =	vst v63  }
0xbe: {  	s2 =	simm.s32 $0x4;
	s22 =	simm.s32 $0x1B900  }
0xbf: {  	[tilespmem:s22], [sflag:$0x7] =	stream.indirect_vreg.gather [hbm4b:s7+s3], $0x80, v3, vm0, $0xb8;
	[tilespmem:$0x1C100] =	vst v63  }
0xc0: {  	_ =	swait.ge [sflag:s2], $0x4000  }
0xc1: {  	[sflag:s2] =	ssyncset.done $0x0  }
0xc2: {  	s22 =	rddreg [dreg:$0x7];
	[sflag:s2] =	ssyncadd.s32 $0xFFFFC000  }
0xc3: {  	[hbm4b:s22+s3] =	stream.linear.scatter [tilespmem:s31], [sflag:$0xB], $0x4000, $0x38;
	[tilespmem:$0x1C100] =	vst v63  }
0xc4: {  	_ =	swait.ge [sflag:s11], $0x4000  }
0xc5: {  	[sflag:s11] =	ssyncset.done $0x0  }
0xc6: {  	[sflag:s11] =	ssyncadd.s32 $0xFFFFC000  }
0xc7: {  	v3 =	vld [tilespmem:$0x70];
	_ =	sdelay $0x4  }
0xc8: {  	v55 =	vshll.u32 v3, $0x3  }
0xc9: {  	v3 =	vand.u32 $0x7, v3;
	v4 =	vand.u32 $0xFFFFFFC0, v55  }
0xca: {  	v3 =	vor.u32 v3, v4  }
0xcb: {  	v4 =	vperm.xlane v3, v0;
	_ =	sdelay $0x1  }
0xcc: {  	v4 =	vadd.s32 v1, v4;
	_ =	sdelay $0x4  }
0xcd: {  	[tilespmem:s18], [sflag:$0x1] =	stream.indirect_vreg.gather [hbm4b:s1+s3], $0x80, v4, vm0, $0xb8;
	[tilespmem:$0x1C100] =	vst v63  }
0xce: {  	s4 =	simm.s32 $0x900;
	v3 =	vperm.xlane v3, v2  }
0xcf: {  	[tilespmem:s4], [sflag:$0x1] =	stream.indirect_vreg.gather [hbm4b:s5+s3], $0x80, v4, vm0, $0xb8;
	[tilespmem:$0x1C100] =	vst v63  }
0xd0: {  	s22 =	simm.s32 $0x1100;
	v3 =	vadd.s32 v1, v3  }
0xd1: {  	[tilespmem:s22], [sflag:$0x1] =	stream.indirect_vreg.gather [hbm4b:s6+s3], $0x80, v4, vm0, $0xb8;
	[tilespmem:$0x1C100] =	vst v63  }
0xd2: {  	s22 =	simm.s32 $0x1900  }
0xd3: {  	[tilespmem:s22], [sflag:$0x1] =	stream.indirect_vreg.gather [hbm4b:s7+s3], $0x80, v4, vm0, $0xb8;
	[tilespmem:$0x1C100] =	vst v63  }
0xd4: {  	s17 =	simm.s32 $0x2100  }
0xd5: {  	[tilespmem:s17], [sflag:$0x1] =	stream.indirect_vreg.gather [hbm4b:s1+s3], $0x80, v3, vm0, $0xb8;
	[tilespmem:$0x1C100] =	vst v63  }
0xd6: {  	s17 =	simm.s32 $0x2900  }
0xd7: {  	[tilespmem:s17], [sflag:$0x1] =	stream.indirect_vreg.gather [hbm4b:s5+s3], $0x80, v3, vm0, $0xb8;
	[tilespmem:$0x1C100] =	vst v63  }
0xd8: {  	s22 =	simm.s32 $0x3100  }
0xd9: {  	[tilespmem:s22], [sflag:$0x1] =	stream.indirect_vreg.gather [hbm4b:s6+s3], $0x80, v3, vm0, $0xb8;
	[tilespmem:$0x1C100] =	vst v63  }
0xda: {  	s15 =	simm.s32 $0x3900;
	s4 =	simm.s32 $0x5  }
0xdb: {  	[tilespmem:s15], [sflag:$0x1] =	stream.indirect_vreg.gather [hbm4b:s7+s3], $0x80, v3, vm0, $0xb8;
	[tilespmem:$0x1C100] =	vst v63  }
0xdc: {  	_ =	swait.ge [sflag:s4], $0x4000  }
0xdd: {  	[sflag:s4] =	ssyncset.done $0x0  }
0xde: {  	s17 =	rddreg [dreg:$0x8];
	[sflag:s4] =	ssyncadd.s32 $0xFFFFC000  }
0xdf: {  	[hbm4b:s17+s3] =	stream.linear.scatter [tilespmem:s20], [sflag:$0xC], $0x4000, $0x38;
	[tilespmem:$0x1C100] =	vst v63  }
0xe0: {  	_ =	swait.ge [sflag:s13], $0x4000  }
0xe1: {  	[sflag:s13] =	ssyncset.done $0x0  }
0xe2: {  	[sflag:s13] =	ssyncadd.s32 $0xFFFFC000  }
0xe3: {  	v3 =	vld [tilespmem:$0x80];
	_ =	sdelay $0x4  }
0xe4: {  	v56 =	vshll.u32 v3, $0x3  }
0xe5: {  	v3 =	vand.u32 $0x7, v3;
	v4 =	vand.u32 $0xFFFFFFC0, v56  }
0xe6: {  	v3 =	vor.u32 v3, v4  }
0xe7: {  	v4 =	vperm.xlane v3, v0;
	_ =	sdelay $0x1  }
0xe8: {  	v4 =	vadd.s32 v1, v4;
	_ =	sdelay $0x4  }
0xe9: {  	[tilespmem:s28], [sflag:$0x2] =	stream.indirect_vreg.gather [hbm4b:s1+s3], $0x80, v4, vm0, $0xb8;
	[tilespmem:$0x1C100] =	vst v63  }
0xea: {  	s22 =	simm.s32 $0x4900;
	v3 =	vperm.xlane v3, v2  }
0xeb: {  	[tilespmem:s22], [sflag:$0x2] =	stream.indirect_vreg.gather [hbm4b:s5+s3], $0x80, v4, vm0, $0xb8;
	[tilespmem:$0x1C100] =	vst v63  }
0xec: {  	s17 =	simm.s32 $0x5100;
	v3 =	vadd.s32 v1, v3  }
0xed: {  	[tilespmem:s17], [sflag:$0x2] =	stream.indirect_vreg.gather [hbm4b:s6+s3], $0x80, v4, vm0, $0xb8;
	[tilespmem:$0x1C100] =	vst v63  }
0xee: {  	s22 =	simm.s32 $0x5900  }
0xef: {  	[tilespmem:s22], [sflag:$0x2] =	stream.indirect_vreg.gather [hbm4b:s7+s3], $0x80, v4, vm0, $0xb8;
	[tilespmem:$0x1C100] =	vst v63  }
0xf0: {  	s17 =	simm.s32 $0x6100  }
0xf1: {  	[tilespmem:s17], [sflag:$0x2] =	stream.indirect_vreg.gather [hbm4b:s1+s3], $0x80, v3, vm0, $0xb8;
	[tilespmem:$0x1C100] =	vst v63  }
0xf2: {  	s22 =	simm.s32 $0x6900  }
0xf3: {  	[tilespmem:s22], [sflag:$0x2] =	stream.indirect_vreg.gather [hbm4b:s5+s3], $0x80, v3, vm0, $0xb8;
	[tilespmem:$0x1C100] =	vst v63  }
0xf4: {  	s17 =	simm.s32 $0x7100  }
0xf5: {  	[tilespmem:s17], [sflag:$0x2] =	stream.indirect_vreg.gather [hbm4b:s6+s3], $0x80, v3, vm0, $0xb8;
	[tilespmem:$0x1C100] =	vst v63  }
0xf6: {  	s15 =	simm.s32 $0x6;
	s22 =	simm.s32 $0x7900  }
0xf7: {  	[tilespmem:s22], [sflag:$0x2] =	stream.indirect_vreg.gather [hbm4b:s7+s3], $0x80, v3, vm0, $0xb8;
	[tilespmem:$0x1C100] =	vst v63  }
0xf8: {  	_ =	swait.ge [sflag:s15], $0x4000  }
0xf9: {  	[sflag:s15] =	ssyncset.done $0x0  }
0xfa: {  	s17 =	rddreg [dreg:$0x9];
	[sflag:s15] =	ssyncadd.s32 $0xFFFFC000  }
0xfb: {  	[hbm4b:s17+s3] =	stream.linear.scatter [tilespmem:s12], [sflag:$0xD], $0x4000, $0x38;
	[tilespmem:$0x1C100] =	vst v63  }
0xfc: {  	s17 =	simm.s32 $0xA  }
0xfd: {  	_ =	swait.ge [sflag:s17], $0x4000  }
0xfe: {  	[sflag:s17] =	ssyncset.done $0x0  }
0xff: {  	[sflag:s17] =	ssyncadd.s32 $0xFFFFC000  }
0x100: {  	v3 =	vld [tilespmem:$0x90];
	_ =	sdelay $0x4  }
0x101: {  	v57 =	vshll.u32 v3, $0x3  }
0x102: {  	v3 =	vand.u32 $0x7, v3;
	v4 =	vand.u32 $0xFFFFFFC0, v57  }
0x103: {  	v3 =	vor.u32 v3, v4  }
0x104: {  	v4 =	vperm.xlane v3, v0;
	_ =	sdelay $0x1  }
0x105: {  	v4 =	vadd.s32 v1, v4;
	_ =	sdelay $0x4  }
0x106: {  	[tilespmem:s10], [sflag:$0x3] =	stream.indirect_vreg.gather [hbm4b:s1+s3], $0x80, v4, vm0, $0xb8;
	[tilespmem:$0x1C100] =	vst v63  }
0x107: {  	v3 =	vperm.xlane v3, v2  }
0x108: {  	[tilespmem:s16], [sflag:$0x3] =	stream.indirect_vreg.gather [hbm4b:s5+s3], $0x80, v4, vm0, $0xb8;
	[tilespmem:$0x1C100] =	vst v63  }
0x109: {  	v3 =	vadd.s32 v1, v3  }
0x10a: {  	[tilespmem:s14], [sflag:$0x3] =	stream.indirect_vreg.gather [hbm4b:s6+s3], $0x80, v4, vm0, $0xb8;
	[tilespmem:$0x1C100] =	vst v63  }
0x10b: {  	_ = 	snop  }
0x10c: {  	[tilespmem:s23], [sflag:$0x3] =	stream.indirect_vreg.gather [hbm4b:s7+s3], $0x80, v4, vm0, $0xb8;
	[tilespmem:$0x1C100] =	vst v63  }
0x10d: {  	_ = 	snop  }
0x10e: {  	[tilespmem:s24], [sflag:$0x3] =	stream.indirect_vreg.gather [hbm4b:s1+s3], $0x80, v3, vm0, $0xb8;
	[tilespmem:$0x1C100] =	vst v63  }
0x10f: {  	_ = 	snop  }
0x110: {  	[tilespmem:s25], [sflag:$0x3] =	stream.indirect_vreg.gather [hbm4b:s5+s3], $0x80, v3, vm0, $0xb8;
	[tilespmem:$0x1C100] =	vst v63  }
0x111: {  	_ = 	snop  }
0x112: {  	[tilespmem:s26], [sflag:$0x3] =	stream.indirect_vreg.gather [hbm4b:s6+s3], $0x80, v3, vm0, $0xb8;
	[tilespmem:$0x1C100] =	vst v63  }
0x113: {  	s14 =	simm.s32 $0x7  }
0x114: {  	[tilespmem:s29], [sflag:$0x3] =	stream.indirect_vreg.gather [hbm4b:s7+s3], $0x80, v3, vm0, $0xb8;
	[tilespmem:$0x1C100] =	vst v63  }
0x115: {  	_ =	swait.ge [sflag:s14], $0x4000  }
0x116: {  	[sflag:s14] =	ssyncset.done $0x0  }
0x117: {  	s16 =	rddreg [dreg:$0xa];
	[sflag:s14] =	ssyncadd.s32 $0xFFFFC000  }
0x118: {  	[hbm4b:s16+s3] =	stream.linear.scatter [tilespmem:s9], [sflag:$0xE], $0x4000, $0x38;
	[tilespmem:$0x1C100] =	vst v63  }
0x119: {  	s16 =	simm.s32 $0xB  }
0x11a: {  	_ =	swait.ge [sflag:s16], $0x4000  }
0x11b: {  	[sflag:s16] =	ssyncset.done $0x0  }
0x11c: {  	[sflag:s16] =	ssyncadd.s32 $0xFFFFC000  }
0x11d: {  	v3 =	vld [tilespmem:$0xA0];
	_ =	sdelay $0x4  }
0x11e: {  	v58 =	vshll.u32 v3, $0x3  }
0x11f: {  	v3 =	vand.u32 $0x7, v3;
	v4 =	vand.u32 $0xFFFFFFC0, v58  }
0x120: {  	v3 =	vor.u32 v3, v4  }
0x121: {  	v4 =	vperm.xlane v3, v0;
	_ =	sdelay $0x1  }
0x122: {  	v4 =	vadd.s32 v1, v4;
	_ =	sdelay $0x4  }
0x123: {  	[tilespmem:s31], [sflag:$0x4] =	stream.indirect_vreg.gather [hbm4b:s1+s3], $0x80, v4, vm0, $0xb8;
	[tilespmem:$0x1C100] =	vst v63  }
0x124: {  	v3 =	vperm.xlane v3, v2  }
0x125: {  	[tilespmem:s21], [sflag:$0x4] =	stream.indirect_vreg.gather [hbm4b:s5+s3], $0x80, v4, vm0, $0xb8;
	[tilespmem:$0x1C100] =	vst v63  }
0x126: {  	s22 =	simm.s32 $0xD100;
	v3 =	vadd.s32 v1, v3  }
0x127: {  	[tilespmem:s22], [sflag:$0x4] =	stream.indirect_vreg.gather [hbm4b:s6+s3], $0x80, v4, vm0, $0xb8;
	[tilespmem:$0x1C100] =	vst v63  }
0x128: {  	s23 =	simm.s32 $0xD900  }
0x129: {  	[tilespmem:s23], [sflag:$0x4] =	stream.indirect_vreg.gather [hbm4b:s7+s3], $0x80, v4, vm0, $0xb8;
	[tilespmem:$0x1C100] =	vst v63  }
0x12a: {  	s22 =	simm.s32 $0xE100  }
0x12b: {  	[tilespmem:s22], [sflag:$0x4] =	stream.indirect_vreg.gather [hbm4b:s1+s3], $0x80, v3, vm0, $0xb8;
	[tilespmem:$0x1C100] =	vst v63  }
0x12c: {  	s23 =	simm.s32 $0xE900  }
0x12d: {  	[tilespmem:s23], [sflag:$0x4] =	stream.indirect_vreg.gather [hbm4b:s5+s3], $0x80, v3, vm0, $0xb8;
	[tilespmem:$0x1C100] =	vst v63  }
0x12e: {  	s22 =	simm.s32 $0xF100  }
0x12f: {  	[tilespmem:s22], [sflag:$0x4] =	stream.indirect_vreg.gather [hbm4b:s6+s3], $0x80, v3, vm0, $0xb8;
	[tilespmem:$0x1C100] =	vst v63  }
0x130: {  	s23 =	simm.s32 $0xF900  }
0x131: {  	[tilespmem:s23], [sflag:$0x4] =	stream.indirect_vreg.gather [hbm4b:s7+s3], $0x80, v3, vm0, $0xb8;
	[tilespmem:$0x1C100] =	vst v63  }
0x132: {  	_ =	swait.ge [sflag:s19], $0x4000  }
0x133: {  	[sflag:s19] =	ssyncset.done $0x0  }
0x134: {  	s21 =	rddreg [dreg:$0xb];
	[sflag:s19] =	ssyncadd.s32 $0xFFFFC000  }
0x135: {  	[hbm4b:s21+s3] =	stream.linear.scatter [tilespmem:s18], [sflag:$0x8], $0x4000, $0x38;
	[tilespmem:$0x1C100] =	vst v63  }
0x136: {  	s21 =	simm.s32 $0xC  }
0x137: {  	_ =	swait.ge [sflag:s21], $0x4000  }
0x138: {  	[sflag:s21] =	ssyncset.done $0x0  }
0x139: {  	[sflag:s21] =	ssyncadd.s32 $0xFFFFC000  }
0x13a: {  	v3 =	vld [tilespmem:$0xB0];
	_ =	sdelay $0x4  }
0x13b: {  	v59 =	vshll.u32 v3, $0x3  }
0x13c: {  	v3 =	vand.u32 $0x7, v3;
	v4 =	vand.u32 $0xFFFFFFC0, v59  }
0x13d: {  	v3 =	vor.u32 v3, v4  }
0x13e: {  	v4 =	vperm.xlane v3, v0;
	_ =	sdelay $0x1  }
0x13f: {  	v4 =	vadd.s32 v1, v4;
	_ =	sdelay $0x4  }
0x140: {  	[tilespmem:s20], [sflag:$0x5] =	stream.indirect_vreg.gather [hbm4b:s1+s3], $0x80, v4, vm0, $0xb8;
	[tilespmem:$0x1C100] =	vst v63  }
0x141: {  	s23 =	simm.s32 $0x10900;
	v3 =	vperm.xlane v3, v2  }
0x142: {  	[tilespmem:s23], [sflag:$0x5] =	stream.indirect_vreg.gather [hbm4b:s5+s3], $0x80, v4, vm0, $0xb8;
	[tilespmem:$0x1C100] =	vst v63  }
0x143: {  	v3 =	vadd.s32 v1, v3;
	s23 =	simm.s32 $0x11100  }
0x144: {  	[tilespmem:s23], [sflag:$0x5] =	stream.indirect_vreg.gather [hbm4b:s6+s3], $0x80, v4, vm0, $0xb8;
	[tilespmem:$0x1C100] =	vst v63  }
0x145: {  	s23 =	simm.s32 $0x11900  }
0x146: {  	[tilespmem:s23], [sflag:$0x5] =	stream.indirect_vreg.gather [hbm4b:s7+s3], $0x80, v4, vm0, $0xb8;
	[tilespmem:$0x1C100] =	vst v63  }
0x147: {  	s23 =	simm.s32 $0x12100  }
0x148: {  	[tilespmem:s23], [sflag:$0x5] =	stream.indirect_vreg.gather [hbm4b:s1+s3], $0x80, v3, vm0, $0xb8;
	[tilespmem:$0x1C100] =	vst v63  }
0x149: {  	s23 =	simm.s32 $0x12900  }
0x14a: {  	[tilespmem:s23], [sflag:$0x5] =	stream.indirect_vreg.gather [hbm4b:s5+s3], $0x80, v3, vm0, $0xb8;
	[tilespmem:$0x1C100] =	vst v63  }
0x14b: {  	s23 =	simm.s32 $0x13100  }
0x14c: {  	[tilespmem:s23], [sflag:$0x5] =	stream.indirect_vreg.gather [hbm4b:s6+s3], $0x80, v3, vm0, $0xb8;
	[tilespmem:$0x1C100] =	vst v63  }
0x14d: {  	s23 =	simm.s32 $0x13900  }
0x14e: {  	[tilespmem:s23], [sflag:$0x5] =	stream.indirect_vreg.gather [hbm4b:s7+s3], $0x80, v3, vm0, $0xb8;
	[tilespmem:$0x1C100] =	vst v63  }
0x14f: {  	_ =	swait.ge [sflag:s30], $0x4000  }
0x150: {  	[sflag:s30] =	ssyncset.done $0x0  }
0x151: {  	s23 =	rddreg [dreg:$0xc];
	[sflag:s30] =	ssyncadd.s32 $0xFFFFC000  }
0x152: {  	[hbm4b:s23+s3] =	stream.linear.scatter [tilespmem:s28], [sflag:$0x9], $0x4000, $0x38;
	[tilespmem:$0x1C100] =	vst v63  }
0x153: {  	s23 =	simm.s32 $0xD  }
0x154: {  	_ =	swait.ge [sflag:s23], $0x4000  }
0x155: {  	[sflag:s23] =	ssyncset.done $0x0  }
0x156: {  	[sflag:s23] =	ssyncadd.s32 $0xFFFFC000  }
0x157: {  	v3 =	vld [tilespmem:$0xC0];
	_ =	sdelay $0x4  }
0x158: {  	v60 =	vshll.u32 v3, $0x3  }
0x159: {  	v3 =	vand.u32 $0x7, v3;
	v4 =	vand.u32 $0xFFFFFFC0, v60  }
0x15a: {  	v3 =	vor.u32 v3, v4  }
0x15b: {  	v4 =	vperm.xlane v3, v0;
	_ =	sdelay $0x1  }
0x15c: {  	v4 =	vadd.s32 v1, v4;
	_ =	sdelay $0x4  }
0x15d: {  	[tilespmem:s12], [sflag:$0x6] =	stream.indirect_vreg.gather [hbm4b:s1+s3], $0x80, v4, vm0, $0xb8;
	[tilespmem:$0x1C100] =	vst v63  }
0x15e: {  	s22 =	simm.s32 $0x14900;
	v3 =	vperm.xlane v3, v2  }
0x15f: {  	[tilespmem:s22], [sflag:$0x6] =	stream.indirect_vreg.gather [hbm4b:s5+s3], $0x80, v4, vm0, $0xb8;
	[tilespmem:$0x1C100] =	vst v63  }
0x160: {  	v3 =	vadd.s32 v1, v3;
	s22 =	simm.s32 $0x15100  }
0x161: {  	[tilespmem:s22], [sflag:$0x6] =	stream.indirect_vreg.gather [hbm4b:s6+s3], $0x80, v4, vm0, $0xb8;
	[tilespmem:$0x1C100] =	vst v63  }
0x162: {  	s22 =	simm.s32 $0x15900  }
0x163: {  	[tilespmem:s22], [sflag:$0x6] =	stream.indirect_vreg.gather [hbm4b:s7+s3], $0x80, v4, vm0, $0xb8;
	[tilespmem:$0x1C100] =	vst v63  }
0x164: {  	s22 =	simm.s32 $0x16100  }
0x165: {  	[tilespmem:s22], [sflag:$0x6] =	stream.indirect_vreg.gather [hbm4b:s1+s3], $0x80, v3, vm0, $0xb8;
	[tilespmem:$0x1C100] =	vst v63  }
0x166: {  	s22 =	simm.s32 $0x16900  }
0x167: {  	[tilespmem:s22], [sflag:$0x6] =	stream.indirect_vreg.gather [hbm4b:s5+s3], $0x80, v3, vm0, $0xb8;
	[tilespmem:$0x1C100] =	vst v63  }
0x168: {  	s22 =	simm.s32 $0x17100  }
0x169: {  	[tilespmem:s22], [sflag:$0x6] =	stream.indirect_vreg.gather [hbm4b:s6+s3], $0x80, v3, vm0, $0xb8;
	[tilespmem:$0x1C100] =	vst v63  }
0x16a: {  	s22 =	simm.s32 $0x17900  }
0x16b: {  	[tilespmem:s22], [sflag:$0x6] =	stream.indirect_vreg.gather [hbm4b:s7+s3], $0x80, v3, vm0, $0xb8;
	[tilespmem:$0x1C100] =	vst v63  }
0x16c: {  	_ =	swait.ge [sflag:s0], $0x4000  }
0x16d: {  	[sflag:s0] =	ssyncset.done $0x0  }
0x16e: {  	s22 =	rddreg [dreg:$0xd];
	[sflag:s0] =	ssyncadd.s32 $0xFFFFC000;
	s0 =	simm.s32 $0xE  }
0x16f: {  	[hbm4b:s22+s3] =	stream.linear.scatter [tilespmem:s10], [sflag:$0xA], $0x4000, $0x38;
	[tilespmem:$0x1C100] =	vst v63  }
0x170: {  	_ =	swait.ge [sflag:s0], $0x4000  }
0x171: {  	[sflag:s0] =	ssyncset.done $0x0  }
0x172: {  	[sflag:s0] =	ssyncadd.s32 $0xFFFFC000  }
0x173: {  	v3 =	vld [tilespmem:$0xD0];
	_ =	sdelay $0x4  }
0x174: {  	v61 =	vshll.u32 v3, $0x3  }
0x175: {  	v3 =	vand.u32 $0x7, v3;
	v4 =	vand.u32 $0xFFFFFFC0, v61  }
0x176: {  	v3 =	vor.u32 v3, v4  }
0x177: {  	v4 =	vperm.xlane v3, v0;
	_ =	sdelay $0x1  }
0x178: {  	v4 =	vadd.s32 v1, v4;
	_ =	sdelay $0x4  }
0x179: {  	[tilespmem:s9], [sflag:$0x7] =	stream.indirect_vreg.gather [hbm4b:s1+s3], $0x80, v4, vm0, $0xb8;
	[tilespmem:$0x1C100] =	vst v63  }
0x17a: {  	s22 =	simm.s32 $0x18900;
	v3 =	vperm.xlane v3, v2  }
0x17b: {  	[tilespmem:s22], [sflag:$0x7] =	stream.indirect_vreg.gather [hbm4b:s5+s3], $0x80, v4, vm0, $0xb8;
	[tilespmem:$0x1C100] =	vst v63  }
0x17c: {  	v3 =	vadd.s32 v1, v3;
	s22 =	simm.s32 $0x19100  }
0x17d: {  	[tilespmem:s22], [sflag:$0x7] =	stream.indirect_vreg.gather [hbm4b:s6+s3], $0x80, v4, vm0, $0xb8;
	[tilespmem:$0x1C100] =	vst v63  }
0x17e: {  	s22 =	simm.s32 $0x19900  }
0x17f: {  	[tilespmem:s22], [sflag:$0x7] =	stream.indirect_vreg.gather [hbm4b:s7+s3], $0x80, v4, vm0, $0xb8;
	[tilespmem:$0x1C100] =	vst v63  }
0x180: {  	s22 =	simm.s32 $0x1A100  }
0x181: {  	[tilespmem:s22], [sflag:$0x7] =	stream.indirect_vreg.gather [hbm4b:s1+s3], $0x80, v3, vm0, $0xb8;
	[tilespmem:$0x1C100] =	vst v63  }
0x182: {  	s22 =	simm.s32 $0x1A900  }
0x183: {  	[tilespmem:s22], [sflag:$0x7] =	stream.indirect_vreg.gather [hbm4b:s5+s3], $0x80, v3, vm0, $0xb8;
	[tilespmem:$0x1C100] =	vst v63  }
0x184: {  	s22 =	simm.s32 $0x1B100  }
0x185: {  	[tilespmem:s22], [sflag:$0x7] =	stream.indirect_vreg.gather [hbm4b:s6+s3], $0x80, v3, vm0, $0xb8;
	[tilespmem:$0x1C100] =	vst v63  }
0x186: {  	s22 =	simm.s32 $0x1B900  }
0x187: {  	[tilespmem:s22], [sflag:$0x7] =	stream.indirect_vreg.gather [hbm4b:s7+s3], $0x80, v3, vm0, $0xb8;
	[tilespmem:$0x1C100] =	vst v63  }
0x188: {  	_ =	swait.ge [sflag:s2], $0x4000  }
0x189: {  	[sflag:s2] =	ssyncset.done $0x0  }
0x18a: {  	s10 =	rddreg [dreg:$0xe];
	[sflag:s2] =	ssyncadd.s32 $0xFFFFC000  }
0x18b: {  	[hbm4b:s10+s3] =	stream.linear.scatter [tilespmem:s31], [sflag:$0xB], $0x4000, $0x38;
	[tilespmem:$0x1C100] =	vst v63  }
0x18c: {  	_ =	swait.ge [sflag:s11], $0x4000  }
0x18d: {  	[sflag:s11] =	ssyncset.done $0x0  }
0x18e: {  	[sflag:s11] =	ssyncadd.s32 $0xFFFFC000  }
0x18f: {  	v3 =	vld [tilespmem:$0xE0];
	_ =	sdelay $0x4  }
0x190: {  	v62 =	vshll.u32 v3, $0x3  }
0x191: {  	v3 =	vand.u32 $0x7, v3;
	v4 =	vand.u32 $0xFFFFFFC0, v62  }
0x192: {  	v3 =	vor.u32 v3, v4  }
0x193: {  	v4 =	vperm.xlane v3, v0;
	_ =	sdelay $0x1  }
0x194: {  	v4 =	vadd.s32 v1, v4;
	_ =	sdelay $0x4  }
0x195: {  	[tilespmem:s18], [sflag:$0x1] =	stream.indirect_vreg.gather [hbm4b:s1+s3], $0x80, v4, vm0, $0xb8;
	[tilespmem:$0x1C100] =	vst v63  }
0x196: {  	s22 =	simm.s32 $0x900;
	v3 =	vperm.xlane v3, v2  }
0x197: {  	[tilespmem:s22], [sflag:$0x1] =	stream.indirect_vreg.gather [hbm4b:s5+s3], $0x80, v4, vm0, $0xb8;
	[tilespmem:$0x1C100] =	vst v63  }
0x198: {  	s10 =	simm.s32 $0x1100;
	v3 =	vadd.s32 v1, v3  }
0x199: {  	[tilespmem:s10], [sflag:$0x1] =	stream.indirect_vreg.gather [hbm4b:s6+s3], $0x80, v4, vm0, $0xb8;
	[tilespmem:$0x1C100] =	vst v63  }
0x19a: {  	s22 =	simm.s32 $0x1900  }
0x19b: {  	[tilespmem:s22], [sflag:$0x1] =	stream.indirect_vreg.gather [hbm4b:s7+s3], $0x80, v4, vm0, $0xb8;
	[tilespmem:$0x1C100] =	vst v63  }
0x19c: {  	s10 =	simm.s32 $0x2100  }
0x19d: {  	[tilespmem:s10], [sflag:$0x1] =	stream.indirect_vreg.gather [hbm4b:s1+s3], $0x80, v3, vm0, $0xb8;
	[tilespmem:$0x1C100] =	vst v63  }
0x19e: {  	s22 =	simm.s32 $0x2900  }
0x19f: {  	[tilespmem:s22], [sflag:$0x1] =	stream.indirect_vreg.gather [hbm4b:s5+s3], $0x80, v3, vm0, $0xb8;
	[tilespmem:$0x1C100] =	vst v63  }
0x1a0: {  	s10 =	simm.s32 $0x3100  }
0x1a1: {  	[tilespmem:s10], [sflag:$0x1] =	stream.indirect_vreg.gather [hbm4b:s6+s3], $0x80, v3, vm0, $0xb8;
	[tilespmem:$0x1C100] =	vst v63  }
0x1a2: {  	s22 =	simm.s32 $0x3900  }
0x1a3: {  	[tilespmem:s22], [sflag:$0x1] =	stream.indirect_vreg.gather [hbm4b:s7+s3], $0x80, v3, vm0, $0xb8;
	[tilespmem:$0x1C100] =	vst v63  }
0x1a4: {  	_ =	swait.ge [sflag:s4], $0x4000  }
0x1a5: {  	[sflag:s4] =	ssyncset.done $0x0  }
0x1a6: {  	s10 =	rddreg [dreg:$0xf];
	[sflag:s4] =	ssyncadd.s32 $0xFFFFC000  }
0x1a7: {  	[hbm4b:s10+s3] =	stream.linear.scatter [tilespmem:s20], [sflag:$0xC], $0x4000, $0x38;
	[tilespmem:$0x1C100] =	vst v63  }
0x1a8: {  	_ =	swait.ge [sflag:s13], $0x4000  }
0x1a9: {  	[sflag:s13] =	ssyncset.done $0x0  }
0x1aa: {  	[sflag:s13] =	ssyncadd.s32 $0xFFFFC000  }
0x1ab: {  	v3 =	vld [tilespmem:$0xF0];
	_ =	sdelay $0x4  }
0x1ac: {  	v63 =	vshll.u32 v3, $0x3  }
0x1ad: {  	v3 =	vand.u32 $0x7, v3;
	v4 =	vand.u32 $0xFFFFFFC0, v63  }
0x1ae: {  	v3 =	vor.u32 v3, v4  }
0x1af: {  	v4 =	vperm.xlane v3, v0;
	_ =	sdelay $0x1  }
0x1b0: {  	v4 =	vadd.s32 v1, v4;
	_ =	sdelay $0x4  }
0x1b1: {  	[tilespmem:s28], [sflag:$0x2] =	stream.indirect_vreg.gather [hbm4b:s1+s3], $0x80, v4, vm0, $0xb8;
	[tilespmem:$0x1C100] =	vst v63  }
0x1b2: {  	s22 =	simm.s32 $0x4900;
	v3 =	vperm.xlane v3, v2  }
0x1b3: {  	[tilespmem:s22], [sflag:$0x2] =	stream.indirect_vreg.gather [hbm4b:s5+s3], $0x80, v4, vm0, $0xb8;
	[tilespmem:$0x1C100] =	vst v63  }
0x1b4: {  	s4 =	simm.s32 $0x5100;
	v3 =	vadd.s32 v1, v3  }
0x1b5: {  	[tilespmem:s4], [sflag:$0x2] =	stream.indirect_vreg.gather [hbm4b:s6+s3], $0x80, v4, vm0, $0xb8;
	[tilespmem:$0x1C100] =	vst v63  }
0x1b6: {  	s10 =	simm.s32 $0x5900  }
0x1b7: {  	[tilespmem:s10], [sflag:$0x2] =	stream.indirect_vreg.gather [hbm4b:s7+s3], $0x80, v4, vm0, $0xb8;
	[tilespmem:$0x1C100] =	vst v63  }
0x1b8: {  	s22 =	simm.s32 $0x6100  }
0x1b9: {  	[tilespmem:s22], [sflag:$0x2] =	stream.indirect_vreg.gather [hbm4b:s1+s3], $0x80, v3, vm0, $0xb8;
	[tilespmem:$0x1C100] =	vst v63  }
0x1ba: {  	s4 =	simm.s32 $0x6900  }
0x1bb: {  	[tilespmem:s4], [sflag:$0x2] =	stream.indirect_vreg.gather [hbm4b:s5+s3], $0x80, v3, vm0, $0xb8;
	[tilespmem:$0x1C100] =	vst v63  }
0x1bc: {  	s10 =	simm.s32 $0x7100  }
0x1bd: {  	[tilespmem:s10], [sflag:$0x2] =	stream.indirect_vreg.gather [hbm4b:s6+s3], $0x80, v3, vm0, $0xb8;
	[tilespmem:$0x1C100] =	vst v63  }
0x1be: {  	s22 =	simm.s32 $0x7900  }
0x1bf: {  	[tilespmem:s22], [sflag:$0x2] =	stream.indirect_vreg.gather [hbm4b:s7+s3], $0x80, v3, vm0, $0xb8;
	[tilespmem:$0x1C100] =	vst v63  }
0x1c0: {  	_ =	swait.ge [sflag:s15], $0x4000  }
0x1c1: {  	[sflag:s15] =	ssyncset.done $0x0  }
0x1c2: {  	s4 =	rddreg [dreg:$0x10];
	[sflag:s15] =	ssyncadd.s32 $0xFFFFC000  }
0x1c3: {  	[hbm4b:s4+s3] =	stream.linear.scatter [tilespmem:s12], [sflag:$0xD], $0x4000, $0x38;
	[tilespmem:$0x1C100] =	vst v63  }
0x1c4: {  	_ =	swait.ge [sflag:s14], $0x4000  }
0x1c5: {  	[sflag:s14] =	ssyncset.done $0x0  }
0x1c6: {  	s10 =	rddreg [dreg:$0x11];
	[sflag:s14] =	ssyncadd.s32 $0xFFFFC000  }
0x1c7: {  	[hbm4b:s10+s3] =	stream.linear.scatter [tilespmem:s9], [sflag:$0xE], $0x4000, $0x38;
	[tilespmem:$0x1C100] =	vst v63  }
0x1c8: {  	_ =	swait.ge [sflag:s19], $0x4000  }
0x1c9: {  	[sflag:s19] =	ssyncset.done $0x0  }
0x1ca: {  	s14 =	rddreg [dreg:$0x12];
	[sflag:s19] =	ssyncadd.s32 $0xFFFFC000  }
0x1cb: {  	[hbm4b:s14+s3] =	stream.linear.scatter [tilespmem:s18], [sflag:$0x8], $0x4000, $0x38;
	[tilespmem:$0x1C100] =	vst v63  }
0x1cc: {  	_ =	swait.ge [sflag:s30], $0x4000  }
0x1cd: {  	[sflag:s30] =	ssyncset.done $0x0  }
0x1ce: {  	s15 =	rddreg [dreg:$0x13];
	[sflag:s30] =	ssyncadd.s32 $0xFFFFC000  }
0x1cf: {  	[hbm4b:s15+s3] =	stream.linear.scatter [tilespmem:s28], [sflag:$0x9], $0x4000, $0x38;
	[tilespmem:$0x1C100] =	vst v63  }
0x1d0: {  	_ =	swait.ge [sflag:s17], $0x4000  }
0x1d1: {  	[sflag:s17] =	ssyncset.done $0x0  }
0x1d2: {  	[sflag:s17] =	ssyncadd.s32 $0xFFFFC000  }
0x1d3: {  	_ =	swait.ge [sflag:s16], $0x4000  }
0x1d4: {  	[sflag:s16] =	ssyncset.done $0x0  }
0x1d5: {  	[sflag:s16] =	ssyncadd.s32 $0xFFFFC000  }
0x1d6: {  	_ =	swait.ge [sflag:s21], $0x4000  }
0x1d7: {  	[sflag:s21] =	ssyncset.done $0x0  }
0x1d8: {  	[sflag:s21] =	ssyncadd.s32 $0xFFFFC000  }
0x1d9: {  	_ =	swait.ge [sflag:s23], $0x4000  }
0x1da: {  	[sflag:s23] =	ssyncset.done $0x0  }
0x1db: {  	[sflag:s23] =	ssyncadd.s32 $0xFFFFC000  }
0x1dc: {  	_ =	swait.ge [sflag:s0], $0x4000  }
0x1dd: {  	[sflag:s0] =	ssyncset.done $0x0  }
0x1de: {  	[sflag:s0] =	ssyncadd.s32 $0xFFFFC000  }
0x1df: {  	p0 =	sne.s32 s8, $0x1;
	_ =	swait.ge [sflag:s11], $0x4000  }
.Ltmp0:
0x1e0: {  	[sflag:s11] =	ssyncset.done $0x0;
	(pc) =	sbr.rel @p0 .LBB2_1-.Ltmp0, $4  }
0x1e1: {  	[sflag:s11] =	ssyncadd.s32 $0xFFFFC000  }
0x1e2: {  	_ =	swait.ge [sflag:s13], $0x4000  }
0x1e3: {  	[sflag:s13] =	ssyncset.done $0x0  }
0x1e4: {  	s8 =	sadd.s32 $0xFFFFFFFF, s8;
	[sflag:s13] =	ssyncadd.s32 $0xFFFFC000  }
0x1e5: {  	_ =	sfence.sel $0x180000  }
0x1e6: {  	[bflag:$0x0] =	sbarrier.arrive $0xFFFF  }
0x1e7: {  	_ =	strace $0x90000047  }
0x1e8: {  	s0 =	stileid.u32;
	[bflag:$0x2] =	sbarrier.arrive $0xFFFF  }
0x1e9: {  	p0 =	sne.s32 s0, $0x0;
	s0 =	rddreg [dreg:$0x3]  }
0x1ea: {  	s0 =	sadd.s32 @!p0 $0x100000, s0  }
0x1eb: {  	[sflag:s0] =	ssyncadd.tile.s32 @!p0 $0x1;
	_ =	shalt  }
.Lfunc_end2:
_tile_overlayer_lowered:
.L_overlay_start_2:
0x1ec: {  	(tag) =	ssettag $0x2  }
0x1ed: {  	s0 =	rddreg [dreg:$0x0];
	s2 =	stileid.u32  }
0x1ee: {  	s1 =	rddreg [dreg:$0x1];
	p0 =	sne.s32 s2, $0x0  }
0x1ef: {  	s3 =	rddreg [dreg:$0x2];
	[bflag:$0x3] =	sbarrier.arrive $0xFFFF;
	s2 =	simm.s32 @!p0 $0x1C0F  }
0x1f0: {  	[timem:s3], [sflag:s2] =	dma.local @!p0 [hbm:s0], s1  }
0x1f1: {  	s0 =	simm.s32 @!p0 $0xF  }
0x1f2: {  	_ =	swait.ge @!p0 [sflag:s0], s1  }
0x1f3: {  	s1 =	ssub.s32 @!p0 $0x0, s1;
	[sflag:s0] =	ssyncset.done @!p0 $0x0  }
0x1f4: {  	[sflag:s0] =	ssyncadd.s32 @!p0 s1  }
0x1f5: {  	[bflag:$0x3] =	sbarrier.arrive $0xFFFF  }
0x1f6: {  	_ =	shalt  }

</sc_bundles>
